<compile_context>
chip_gen: v7x
topology: tpu7x:2x2x1
jax: 0.10.2.dev20260603
libtpu: 0.0.44.dev20260713+nightly
codegen_flags: <defaults>
</compile_context>

<pallas_src>
import functools
import math

import jax
import jax.numpy as jnp
from jax.experimental import pallas as pl

NEG_INF = float("-inf")
F32 = jnp.float32


BF16 = jnp.bfloat16


def _dot(a, b):
    return jnp.dot(a.astype(BF16), b.astype(BF16), preferred_element_type=F32)


def _pre_kernel(x_ref, iW1, ib1, iW2, ib2, fW1, fb1, fW2, fb2, mW, mb,
                int_ref, feat_ref, msg_ref):
    x = x_ref[...]
    h = jax.nn.gelu(_dot(x, iW1[...]) + ib1[...])
    int_ref[...] = _dot(h, iW2[...]) + ib2[...]
    h = jax.nn.gelu(_dot(x, fW1[...]) + fb1[...])
    feat_ref[...] = _dot(h, fW2[...]) + fb2[...]
    msg_ref[...] = _dot(x, mW[...]) + mb[...]


def _pre_call(cur, p, mp, bm):
    S, D = cur.shape
    H = D // 2
    full = lambda shp: pl.BlockSpec(shp, lambda i: (0,) * len(shp))
    row = pl.BlockSpec((bm, D), lambda i: (i, 0))
    return pl.pallas_call(
        _pre_kernel,
        grid=(S // bm,),
        in_specs=[row,
                  full((D, H)), full((1, H)), full((H, D)), full((1, D)),
                  full((D, H)), full((1, H)), full((H, D)), full((1, D)),
                  full((D, D)), full((1, D))],
        out_specs=(row, row, row),
        out_shape=(jax.ShapeDtypeStruct((S, D), F32),) * 3,
    )(cur, p["iW1"], p["ib1"].reshape(1, H), p["iW2"], p["ib2"].reshape(1, D),
      p["fW1"], p["fb1"].reshape(1, H), p["fW2"], p["fb2"].reshape(1, D),
      mp["mW"], mp["mb"].reshape(1, D))


def _attn_kernel(kk, scale, int_ref, feat_ref, msg_ref, lmask_ref, out_ref):
    s = jax.lax.dot_general(int_ref[...].astype(BF16), feat_ref[...].astype(BF16),
                            (((1,), (1,)), ((), ())),
                            preferred_element_type=F32)
    s = s * scale + lmask_ref[...]
    rowmax = jnp.max(s, axis=-1, keepdims=True)

    def body(_, t):
        m = jnp.max(t, axis=-1, keepdims=True)
        return jnp.where(t >= m, NEG_INF, t)

    t = s
    thr = jnp.max(t, axis=-1, keepdims=True)
    w = jnp.where(s >= thr, jnp.exp(s - rowmax), 0.0)
    p = w / jnp.sum(w, axis=-1, keepdims=True)
    out_ref[...] = _dot(p, msg_ref[...])


def _attn_call(intents, feats, msgs, lmask, kk, bm):
    S, D = intents.shape
    scale = 1.0 / math.sqrt(D)
    full = lambda shp: pl.BlockSpec(shp, lambda i: (0,) * len(shp))
    row = pl.BlockSpec((bm, D), lambda i: (i, 0))
    return pl.pallas_call(
        functools.partial(_attn_kernel, kk, scale),
        grid=(S // bm,),
        in_specs=[row, full((S, D)), full((S, D)),
                  pl.BlockSpec((bm, S), lambda i: (i, 0))],
        out_specs=row,
        out_shape=jax.ShapeDtypeStruct((S, D), F32),
    )(intents, feats, msgs, lmask)


def _gate_kernel(x_ref, agg_ref, aW, ab, gWx, gWa, gb, oW, ob, out_ref):
    x = x_ref[...]
    a2 = _dot(agg_ref[...], aW[...]) + ab[...]
    g = jax.nn.sigmoid(_dot(x, gWx[...]) + _dot(a2, gWa[...]) + gb[...])
    u = x * (1.0 - g) + a2 * g
    out_ref[...] = _dot(u, oW[...]) + ob[...]


def _gate_call(cur, agg, mp, bm):
    S, D = cur.shape
    full = lambda shp: pl.BlockSpec(shp, lambda i: (0,) * len(shp))
    row = pl.BlockSpec((bm, D), lambda i: (i, 0))
    return pl.pallas_call(
        _gate_kernel,
        grid=(S // bm,),
        in_specs=[row, row,
                  full((D, D)), full((1, D)),
                  full((D, D)), full((D, D)), full((1, D)),
                  full((D, D)), full((1, D))],
        out_specs=row,
        out_shape=jax.ShapeDtypeStruct((S, D), F32),
    )(cur, agg, mp["aW"], mp["ab"].reshape(1, D),
      mp["gW"][:D], mp["gW"][D:], mp["gb"].reshape(1, D),
      mp["oW"], mp["ob"].reshape(1, D))


def _blockagg_kernel(xr_ref, W, b, out_ref):
    m = jnp.mean(xr_ref[...], axis=1)
    out_ref[...] = jax.nn.gelu(_dot(m, W[...]) + b[...])


def _blockagg_call(xr, W, b, bm):
    nb, bs, D = xr.shape
    full = lambda shp: pl.BlockSpec(shp, lambda i: (0,) * len(shp))
    return pl.pallas_call(
        _blockagg_kernel,
        grid=(nb // bm,),
        in_specs=[pl.BlockSpec((bm, bs, D), lambda i: (i, 0, 0)),
                  full((D, D)), full((1, D))],
        out_specs=pl.BlockSpec((bm, D), lambda i: (i, 0)),
        out_shape=jax.ShapeDtypeStruct((nb, D), F32),
    )(xr, W, b.reshape(1, D))


def _linear_kernel(x_ref, W, b, out_ref):
    out_ref[...] = _dot(x_ref[...], W[...]) + b[...]


def _linear_call(x, W, b, bm):
    S, D = x.shape
    full = lambda shp: pl.BlockSpec(shp, lambda i: (0,) * len(shp))
    row = pl.BlockSpec((bm, D), lambda i: (i, 0))
    return pl.pallas_call(
        _linear_kernel,
        grid=(S // bm,),
        in_specs=[row, full((D, D)), full((1, D))],
        out_specs=row,
        out_shape=jax.ShapeDtypeStruct((S, D), F32),
    )(x, W, b.reshape(1, D))


def _final_kernel(o0_ref, d1_ref, d2_ref, F0, F1, F2, fb, out_ref):
    acc = _dot(o0_ref[...], F0[...])
    acc = acc + _dot(d1_ref[...], F1[...])
    acc = acc + _dot(d2_ref[...], F2[...])
    out_ref[...] = acc + fb[...]


def _final_call(o0, d1, d2, fW, fb, bm):
    S, D = o0.shape
    full = lambda shp: pl.BlockSpec(shp, lambda i: (0,) * len(shp))
    row = pl.BlockSpec((bm, D), lambda i: (i, 0))
    return pl.pallas_call(
        _final_kernel,
        grid=(S // bm,),
        in_specs=[row, row, row,
                  full((D, D)), full((D, D)), full((D, D)), full((1, D))],
        out_specs=row,
        out_shape=jax.ShapeDtypeStruct((S, D), F32),
    )(o0, d1, d2, fW[:D], fW[D:2 * D], fW[2 * D:], fb.reshape(1, D))


def _locality_mask(S, lb):
    L = lb.shape[-1]
    t = jnp.arange(2 * S)
    relv = jnp.where(t >= S, t - 2 * S, t)
    idx = jnp.clip(relv, -(L // 2), L // 2 - 1) + L // 2
    v = jax.nn.one_hot(idx, L, dtype=F32) @ lb
    v = jnp.where(relv > 0, NEG_INF, v)
    X = jnp.broadcast_to(v, (S, 2 * S)).reshape(-1)[: S * (2 * S - 1)]
    return X.reshape(S, 2 * S - 1)[:, :S]


BLOCK_SIZES_ = (1, 4, 16)


def kernel(x, params):
    xb = x[0]
    S, D = xb.shape
    outs = []
    for level, bs in enumerate(BLOCK_SIZES_):
        if bs == 1:
            cur = xb
        else:
            ap = params["block_agg"][level - 1]
            cur = _blockagg_call(xb.reshape(S // bs, bs, D), ap["W"], ap["b"],
                                 bm=min(256, S // bs))
        Sl = cur.shape[0]
        bm = min(256, Sl)
        p = params["pred"][level]
        intents, feats, msgs = _pre_call(cur, p, params["mp"][level], bm)
        lmask = _locality_mask(Sl, p["lb"])
        agg = _attn_call(intents, feats, msgs, lmask, 32 // (2 ** level), bm)
        lo = _gate_call(cur, agg, params["mp"][level], bm)
        if bs > 1:
            dp = params["block_dist"][level - 1]
            dist = _linear_call(lo, dp["W"], dp["b"], bm)
            outs.append(jnp.repeat(dist, bs, axis=0))
        else:
            outs.append(lo)
    out = _final_call(outs[0], outs[1], outs[2], params["fW"], params["fb"],
                      bm=256)
    return out[None]

# --- scband reference (transcript-rebuilt; emitter-appended) ---
"""Pipeline reference for scband-hierarchical-topology-22265110463272 (READ-ONLY COPY).

The authoritative reference and input builder live on the scoring server;
editing this copy changes nothing except your own understanding.
"""

import jax, jax.numpy as jnp
import numpy as np
import math

DIM = 1024
NUM_LEVELS = 3
BLOCK_SIZES = [1, 4, 16]
BATCH = 1
SEQ = 2048
TEMPERATURE = 1.0


def _lin(key, fan_in, fan_out):
    W = jax.random.normal(key, (fan_in, fan_out), jnp.float32) * 0.02
    b = jnp.zeros((fan_out,), jnp.float32)
    return W, b


def make_params(key, dim=DIM, num_levels=NUM_LEVELS):
    keys = iter(jax.random.split(key, 64))
    pred = []
    for _ in range(num_levels):
        iW1, ib1 = _lin(next(keys), dim, dim // 2)
        iW2, ib2 = _lin(next(keys), dim // 2, dim)
        fW1, fb1 = _lin(next(keys), dim, dim // 2)
        fW2, fb2 = _lin(next(keys), dim // 2, dim)
        lb = jax.random.normal(next(keys), (128,), jnp.float32) * 0.1
        pred.append(dict(iW1=iW1, ib1=ib1, iW2=iW2, ib2=ib2, fW1=fW1, fb1=fb1, fW2=fW2, fb2=fb2, lb=lb))
    mp = []
    for _ in range(num_levels):
        mW, mb = _lin(next(keys), dim, dim)
        aW, ab = _lin(next(keys), dim, dim)
        gW, gb = _lin(next(keys), 2 * dim, dim)
        oW, ob = _lin(next(keys), dim, dim)
        mp.append(dict(mW=mW, mb=mb, aW=aW, ab=ab, gW=gW, gb=gb, oW=oW, ob=ob))
    block_agg = []
    block_dist = []
    for _ in range(num_levels - 1):
        W, b = _lin(next(keys), dim, dim)
        block_agg.append(dict(W=W, b=b))
        W, b = _lin(next(keys), dim, dim)
        block_dist.append(dict(W=W, b=b))
    fW, fb = _lin(next(keys), dim * num_levels, dim)
    return dict(pred=pred, mp=mp, block_agg=block_agg, block_dist=block_dist, fW=fW, fb=fb)


def linear(x, W, b):
    return x @ W + b


def _locality(seq_len, bias):
    pos = jnp.arange(seq_len)
    rel = pos[None, :] - pos[:, None]
    L = bias.shape[-1]
    rc = jnp.clip(rel, -(L // 2), L // 2 - 1) + L // 2
    return bias[rc]


def topology_predictor(x, p, max_connections, causal=True):
    B, S, D = x.shape
    intents = linear(jax.nn.gelu(linear(x, p['iW1'], p['ib1'])), p['iW2'], p['ib2'])
    features = linear(jax.nn.gelu(linear(x, p['fW1'], p['fb1'])), p['fW2'], p['fb2'])
    scores = jnp.matmul(intents, jnp.swapaxes(features, -2, -1)) / math.sqrt(D)
    scores = scores + _locality(S, p['lb'])[None]
    if causal:
        cm = jnp.triu(jnp.ones((S, S), dtype=bool), k=1)
        scores = jnp.where(cm[None], -jnp.inf, scores)
    k = min(max_connections, S)
    top_scores, top_idx = jax.lax.top_k(scores, k)
    weights = jax.nn.softmax(top_scores / TEMPERATURE, axis=-1)
    return top_idx, weights


def sparse_message_passing(x, topo, w, p):
    B, S, D = x.shape
    messages = linear(x, p['mW'], p['mb'])
    gathered = messages[jnp.arange(B)[:, None, None], topo]
    agg = (gathered * w[..., None]).sum(axis=2)
    agg = linear(agg, p['aW'], p['ab'])
    gate = jax.nn.sigmoid(linear(jnp.concatenate([x, agg], axis=-1), p['gW'], p['gb']))
    updated = x * (1.0 - gate) + agg * gate
    return linear(updated, p['oW'], p['ob'])


def hierarchical_forward(x, params, causal=True):
    B, S, D = x.shape
    outs = []
    for level, bs in enumerate(BLOCK_SIZES):
        if bs == 1:
            cur = x
        else:
            pad = (bs - S % bs) % bs
            xp = jnp.pad(x, ((0, 0), (0, pad), (0, 0))) if pad > 0 else x
            nb = (S + pad) // bs
            block_mean = xp.reshape(B, nb, bs, D).mean(axis=2)
            ap = params['block_agg'][level - 1]
            cur = jax.nn.gelu(linear(block_mean, ap['W'], ap['b']))
        topo, w = topology_predictor(cur, params['pred'][level], 32 // (2 ** level), causal=causal)
        lo = sparse_message_passing(cur, topo, w, params['mp'][level])
        if bs > 1:
            dp = params['block_dist'][level - 1]
            dist = linear(lo, dp['W'], dp['b'])
            dist = jnp.repeat(dist, bs, axis=1)[:, :S, :]
            outs.append(dist)
        else:
            outs.append(lo)
    return linear(jnp.concatenate(outs, axis=-1), params['fW'], params['fb'])


def setup_inputs(seed: int = 0):
    key = jax.random.key(seed)
    kx, kp = jax.random.split(key)
    x = jax.random.normal(kx, (BATCH, SEQ, DIM), jnp.float32)
    params = make_params(kp)
    return {'x': x, 'params': params}


def reference(x, params):
    return hierarchical_forward(x, params, causal=True)

if __name__ == "__main__":
    import jax
    _d = setup_inputs()
    print(jax.jit(kernel)(*tuple(_d.values())))

</pallas_src>

<mosaic_0001>
module attributes {stable_mosaic.version = 14 : i64} {
  func.func @_blockagg_kernel(%arg0: i32, %arg1: memref<256x4x1024xf32, #tpu.memory_space<vmem>>, %arg2: memref<1024x1024xf32, #tpu.memory_space<vmem>>, %arg3: memref<1x1024xf32, #tpu.memory_space<vmem>>, %arg4: memref<256x1024xf32, #tpu.memory_space<vmem>>) attributes {dimension_semantics = [#tpu.dimension_semantics<arbitrary>], iteration_bounds = array<i64: 2>, scalar_prefetch = 0 : i64, scratch_operands = 0 : i64, tpu.core_type = #tpu.core_type<tc>, window_params = [{transform_indices = @transform_0, window_bounds = array<i64: 256, 4, 1024>}, {pipeline_mode = #tpu.pipeline_mode<synchronous>, transform_indices = @transform_1, window_bounds = array<i64: 1024, 1024>}, {pipeline_mode = #tpu.pipeline_mode<synchronous>, transform_indices = @transform_2, window_bounds = array<i64: 1, 1024>}, {transform_indices = @transform_3, window_bounds = array<i64: 256, 1024>}]} {
    %get3A = arith.constant 0 : index
    %get3A_0 = arith.constant 0 : index
    %get3A_1 = arith.constant 0 : index
    %get3A_2 = vector.load %arg1[%get3A, %get3A_0, %get3A_1] : memref<256x4x1024xf32, #tpu.memory_space<vmem>>, vector<256x4x1024xf32>
    %reduce_sum3A = arith.constant dense<0.000000e+00> : vector<256x1024xf32>
    %reduce_sum3A_3 = vector.multi_reduction <add>, %get3A_2, %reduce_sum3A [1] : vector<256x4x1024xf32> to vector<256x1024xf32>
    %div3A = arith.constant 4.000000e+00 : f32
    %div3A_4 = vector.broadcast %div3A : f32 to vector<256x1024xf32>
    %div3A_5 = arith.divf %reduce_sum3A_3, %div3A_4 : vector<256x1024xf32>
    %get3A_6 = arith.constant 0 : index
    %get3A_7 = arith.constant 0 : index
    %get3A_8 = vector.load %arg2[%get3A_6, %get3A_7] : memref<1024x1024xf32, #tpu.memory_space<vmem>>, vector<1024x1024xf32>
    %convert_element_type3A = arith.truncf %div3A_5 : vector<256x1024xf32> to vector<256x1024xbf16>
    %convert_element_type3A_9 = arith.truncf %get3A_8 : vector<1024x1024xf32> to vector<1024x1024xbf16>
    %dot_general3A = arith.constant dense<0.000000e+00> : vector<256x1024xf32>
    %dot_general3A_10 = tpu.matmul %convert_element_type3A, %convert_element_type3A_9, %dot_general3A {dimension_numbers = #tpu.dot_dimension_numbers<[1], [0], [0], [1], [0, 0, 1, 1], [], []>, transpose_lhs_hint = false} : vector<256x1024xbf16>, vector<1024x1024xbf16>, vector<256x1024xf32> -> vector<256x1024xf32>
    %get3A_11 = arith.constant 0 : index
    %get3A_12 = arith.constant 0 : index
    %get3A_13 = vector.load %arg3[%get3A_11, %get3A_12] : memref<1x1024xf32, #tpu.memory_space<vmem>>, vector<1x1024xf32>
    %add3A = vector.broadcast %get3A_13 : vector<1x1024xf32> to vector<256x1024xf32>
    %add3A_14 = arith.addf %dot_general3A_10, %add3A : vector<256x1024xf32>
    %integer_pow3A = arith.mulf %add3A_14, %add3A_14 : vector<256x1024xf32>
    %integer_pow3A_15 = arith.mulf %add3A_14, %integer_pow3A : vector<256x1024xf32>
    %mul3A = arith.constant 4.471500e-02 : f32
    %mul3A_16 = vector.broadcast %mul3A : f32 to vector<256x1024xf32>
    %mul3A_17 = arith.mulf %mul3A_16, %integer_pow3A_15 : vector<256x1024xf32>
    %add3A_18 = arith.addf %add3A_14, %mul3A_17 : vector<256x1024xf32>
    %mul3A_19 = arith.constant 0.797884583 : f32
    %mul3A_20 = vector.broadcast %mul3A_19 : f32 to vector<256x1024xf32>
    %mul3A_21 = arith.mulf %mul3A_20, %add3A_18 : vector<256x1024xf32>
    %tanh3A = math.tanh %mul3A_21 : vector<256x1024xf32>
    %add3A_22 = arith.constant 1.000000e+00 : f32
    %add3A_23 = vector.broadcast %add3A_22 : f32 to vector<256x1024xf32>
    %add3A_24 = arith.addf %add3A_23, %tanh3A : vector<256x1024xf32>
    %mul3A_25 = arith.constant 5.000000e-01 : f32
    %mul3A_26 = vector.broadcast %mul3A_25 : f32 to vector<256x1024xf32>
    %mul3A_27 = arith.mulf %mul3A_26, %add3A_24 : vector<256x1024xf32>
    %mul3A_28 = arith.mulf %add3A_14, %mul3A_27 : vector<256x1024xf32>
    %swap3A = arith.constant 0 : index
    %swap3A_29 = arith.constant 0 : index
    %swap3A_30 = vector.load %arg4[%swap3A, %swap3A_29] : memref<256x1024xf32, #tpu.memory_space<vmem>>, vector<256x1024xf32>
    tpu.vector_store %arg4[%swap3A, %swap3A_29], %mul3A_28 {strides = array<i32>} : memref<256x1024xf32, #tpu.memory_space<vmem>>, vector<256x1024xf32>,
    return
  }
  func.func @transform_0(%arg0: i32) -> (i32, i32, i32) {
    %c0_i32 = arith.constant 0 : i32
    %c0_i32_0 = arith.constant 0 : i32
    %c0_i32_1 = arith.constant 0 : i32
    return %arg0, %c0_i32, %c0_i32_0 : i32, i32, i32
  }
  func.func @transform_1(%arg0: i32) -> (i32, i32) {
    %c0_i32 = arith.constant 0 : i32
    %c0_i32_0 = arith.constant 0 : i32
    %c0_i32_1 = arith.constant 0 : i32
    return %c0_i32, %c0_i32_0 : i32, i32
  }
  func.func @transform_2(%arg0: i32) -> (i32, i32) {
    %c0_i32 = arith.constant 0 : i32
    %c0_i32_0 = arith.constant 0 : i32
    %c0_i32_1 = arith.constant 0 : i32
    return %c0_i32, %c0_i32_0 : i32, i32
  }
  func.func @transform_3(%arg0: i32) -> (i32, i32) {
    %c0_i32 = arith.constant 0 : i32
    %c0_i32_0 = arith.constant 0 : i32
    return %arg0, %c0_i32 : i32, i32
  }
}

module attributes {stable_mosaic.version = 14 : i64} {
  func.func @_pre_kernel(%arg0: i32, %arg1: memref<256x1024xf32, #tpu.memory_space<vmem>>, %arg2: memref<1024x512xf32, #tpu.memory_space<vmem>>, %arg3: memref<1x512xf32, #tpu.memory_space<vmem>>, %arg4: memref<512x1024xf32, #tpu.memory_space<vmem>>, %arg5: memref<1x1024xf32, #tpu.memory_space<vmem>>, %arg6: memref<1024x512xf32, #tpu.memory_space<vmem>>, %arg7: memref<1x512xf32, #tpu.memory_space<vmem>>, %arg8: memref<512x1024xf32, #tpu.memory_space<vmem>>, %arg9: memref<1x1024xf32, #tpu.memory_space<vmem>>, %arg10: memref<1024x1024xf32, #tpu.memory_space<vmem>>, %arg11: memref<1x1024xf32, #tpu.memory_space<vmem>>, %arg12: memref<256x1024xf32, #tpu.memory_space<vmem>>, %arg13: memref<256x1024xf32, #tpu.memory_space<vmem>>, %arg14: memref<256x1024xf32, #tpu.memory_space<vmem>>) attributes {dimension_semantics = [#tpu.dimension_semantics<arbitrary>], iteration_bounds = array<i64: 2>, scalar_prefetch = 0 : i64, scratch_operands = 0 : i64, tpu.core_type = #tpu.core_type<tc>, window_params = [{transform_indices = @transform_0, window_bounds = array<i64: 256, 1024>}, {pipeline_mode = #tpu.pipeline_mode<synchronous>, transform_indices = @transform_1, window_bounds = array<i64: 1024, 512>}, {pipeline_mode = #tpu.pipeline_mode<synchronous>, transform_indices = @transform_2, window_bounds = array<i64: 1, 512>}, {pipeline_mode = #tpu.pipeline_mode<synchronous>, transform_indices = @transform_3, window_bounds = array<i64: 512, 1024>}, {pipeline_mode = #tpu.pipeline_mode<synchronous>, transform_indices = @transform_4, window_bounds = array<i64: 1, 1024>}, {pipeline_mode = #tpu.pipeline_mode<synchronous>, transform_indices = @transform_5, window_bounds = array<i64: 1024, 512>}, {pipeline_mode = #tpu.pipeline_mode<synchronous>, transform_indices = @transform_6, window_bounds = array<i64: 1, 512>}, {pipeline_mode = #tpu.pipeline_mode<synchronous>, transform_indices = @transform_7, window_bounds = array<i64: 512, 1024>}, {pipeline_mode = #tpu.pipeline_mode<synchronous>, transform_indices = @transform_8, window_bounds = array<i64: 1, 1024>}, {pipeline_mode = #tpu.pipeline_mode<synchronous>, transform_indices = @transform_9, window_bounds = array<i64: 1024, 1024>}, {pipeline_mode = #tpu.pipeline_mode<synchronous>, transform_indices = @transform_10, window_bounds = array<i64: 1, 1024>}, {transform_indices = @transform_11, window_bounds = array<i64: 256, 1024>}, {transform_indices = @transform_12, window_bounds = array<i64: 256, 1024>}, {transform_indices = @transform_13, window_bounds = array<i64: 256, 1024>}]} {
    %get3A = arith.constant 0 : index
    %get3A_0 = arith.constant 0 : index
    %get3A_1 = vector.load %arg1[%get3A, %get3A_0] : memref<256x1024xf32, #tpu.memory_space<vmem>>, vector<256x1024xf32>
    %get3A_2 = arith.constant 0 : index
    %get3A_3 = arith.constant 0 : index
    %get3A_4 = vector.load %arg2[%get3A_2, %get3A_3] : memref<1024x512xf32, #tpu.memory_space<vmem>>, vector<1024x512xf32>
    %convert_element_type3A = arith.truncf %get3A_1 : vector<256x1024xf32> to vector<256x1024xbf16>
    %convert_element_type3A_5 = arith.truncf %get3A_4 : vector<1024x512xf32> to vector<1024x512xbf16>
    %dot_general3A = arith.constant dense<0.000000e+00> : vector<256x512xf32>
    %dot_general3A_6 = tpu.matmul %convert_element_type3A, %convert_element_type3A_5, %dot_general3A {dimension_numbers = #tpu.dot_dimension_numbers<[1], [0], [0], [1], [0, 0, 1, 1], [], []>, transpose_lhs_hint = false} : vector<256x1024xbf16>, vector<1024x512xbf16>, vector<256x512xf32> -> vector<256x512xf32>
    %get3A_7 = arith.constant 0 : index
    %get3A_8 = arith.constant 0 : index
    %get3A_9 = vector.load %arg3[%get3A_7, %get3A_8] : memref<1x512xf32, #tpu.memory_space<vmem>>, vector<1x512xf32>
    %add3A = vector.broadcast %get3A_9 : vector<1x512xf32> to vector<256x512xf32>
    %add3A_10 = arith.addf %dot_general3A_6, %add3A : vector<256x512xf32>
    %integer_pow3A = arith.mulf %add3A_10, %add3A_10 : vector<256x512xf32>
    %integer_pow3A_11 = arith.mulf %add3A_10, %integer_pow3A : vector<256x512xf32>
    %mul3A = arith.constant 4.471500e-02 : f32
    %mul3A_12 = vector.broadcast %mul3A : f32 to vector<256x512xf32>
    %mul3A_13 = arith.mulf %mul3A_12, %integer_pow3A_11 : vector<256x512xf32>
    %add3A_14 = arith.addf %add3A_10, %mul3A_13 : vector<256x512xf32>
    %mul3A_15 = arith.constant 0.797884583 : f32
    %mul3A_16 = vector.broadcast %mul3A_15 : f32 to vector<256x512xf32>
    %mul3A_17 = arith.mulf %mul3A_16, %add3A_14 : vector<256x512xf32>
    %tanh3A = math.tanh %mul3A_17 : vector<256x512xf32>
    %add3A_18 = arith.constant 1.000000e+00 : f32
    %add3A_19 = vector.broadcast %add3A_18 : f32 to vector<256x512xf32>
    %add3A_20 = arith.addf %add3A_19, %tanh3A : vector<256x512xf32>
    %mul3A_21 = arith.constant 5.000000e-01 : f32
    %mul3A_22 = vector.broadcast %mul3A_21 : f32 to vector<256x512xf32>
    %mul3A_23 = arith.mulf %mul3A_22, %add3A_20 : vector<256x512xf32>
    %mul3A_24 = arith.mulf %add3A_10, %mul3A_23 : vector<256x512xf32>
    %get3A_25 = arith.constant 0 : index
    %get3A_26 = arith.constant 0 : index
    %get3A_27 = vector.load %arg4[%get3A_25, %get3A_26] : memref<512x1024xf32, #tpu.memory_space<vmem>>, vector<512x1024xf32>
    %convert_element_type3A_28 = arith.truncf %mul3A_24 : vector<256x512xf32> to vector<256x512xbf16>
    %convert_element_type3A_29 = arith.truncf %get3A_27 : vector<512x1024xf32> to vector<512x1024xbf16>
    %dot_general3A_30 = arith.constant dense<0.000000e+00> : vector<256x1024xf32>
    %dot_general3A_31 = tpu.matmul %convert_element_type3A_28, %convert_element_type3A_29, %dot_general3A_30 {dimension_numbers = #tpu.dot_dimension_numbers<[1], [0], [0], [1], [0, 0, 1, 1], [], []>, transpose_lhs_hint = false} : vector<256x512xbf16>, vector<512x1024xbf16>, vector<256x1024xf32> -> vector<256x1024xf32>
    %get3A_32 = arith.constant 0 : index
    %get3A_33 = arith.constant 0 : index
    %get3A_34 = vector.load %arg5[%get3A_32, %get3A_33] : memref<1x1024xf32, #tpu.memory_space<vmem>>, vector<1x1024xf32>
    %add3A_35 = vector.broadcast %get3A_34 : vector<1x1024xf32> to vector<256x1024xf32>
    %add3A_36 = arith.addf %dot_general3A_31, %add3A_35 : vector<256x1024xf32>
    %swap3A = arith.constant 0 : index
    %swap3A_37 = arith.constant 0 : index
    %swap3A_38 = vector.load %arg12[%swap3A, %swap3A_37] : memref<256x1024xf32, #tpu.memory_space<vmem>>, vector<256x1024xf32>
    tpu.vector_store %arg12[%swap3A, %swap3A_37], %add3A_36 {strides = array<i32>} : memref<256x1024xf32, #tpu.memory_space<vmem>>, vector<256x1024xf32>,
    %get3A_39 = arith.constant 0 : index
    %get3A_40 = arith.constant 0 : index
    %get3A_41 = vector.load %arg6[%get3A_39, %get3A_40] : memref<1024x512xf32, #tpu.memory_space<vmem>>, vector<1024x512xf32>
    %convert_element_type3A_42 = arith.truncf %get3A_1 : vector<256x1024xf32> to vector<256x1024xbf16>
    %convert_element_type3A_43 = arith.truncf %get3A_41 : vector<1024x512xf32> to vector<1024x512xbf16>
    %dot_general3A_44 = arith.constant dense<0.000000e+00> : vector<256x512xf32>
    %dot_general3A_45 = tpu.matmul %convert_element_type3A_42, %convert_element_type3A_43, %dot_general3A_44 {dimension_numbers = #tpu.dot_dimension_numbers<[1], [0], [0], [1], [0, 0, 1, 1], [], []>, transpose_lhs_hint = false} : vector<256x1024xbf16>, vector<1024x512xbf16>, vector<256x512xf32> -> vector<256x512xf32>
    %get3A_46 = arith.constant 0 : index
    %get3A_47 = arith.constant 0 : index
    %get3A_48 = vector.load %arg7[%get3A_46, %get3A_47] : memref<1x512xf32, #tpu.memory_space<vmem>>, vector<1x512xf32>
    %add3A_49 = vector.broadcast %get3A_48 : vector<1x512xf32> to vector<256x512xf32>
    %add3A_50 = arith.addf %dot_general3A_45, %add3A_49 : vector<256x512xf32>
    %integer_pow3A_51 = arith.mulf %add3A_50, %add3A_50 : vector<256x512xf32>
    %integer_pow3A_52 = arith.mulf %add3A_50, %integer_pow3A_51 : vector<256x512xf32>
    %mul3A_53 = arith.constant 4.471500e-02 : f32
    %mul3A_54 = vector.broadcast %mul3A_53 : f32 to vector<256x512xf32>
    %mul3A_55 = arith.mulf %mul3A_54, %integer_pow3A_52 : vector<256x512xf32>
    %add3A_56 = arith.addf %add3A_50, %mul3A_55 : vector<256x512xf32>
    %mul3A_57 = arith.constant 0.797884583 : f32
    %mul3A_58 = vector.broadcast %mul3A_57 : f32 to vector<256x512xf32>
    %mul3A_59 = arith.mulf %mul3A_58, %add3A_56 : vector<256x512xf32>
    %tanh3A_60 = math.tanh %mul3A_59 : vector<256x512xf32>
    %add3A_61 = arith.constant 1.000000e+00 : f32
    %add3A_62 = vector.broadcast %add3A_61 : f32 to vector<256x512xf32>
    %add3A_63 = arith.addf %add3A_62, %tanh3A_60 : vector<256x512xf32>
    %mul3A_64 = arith.constant 5.000000e-01 : f32
    %mul3A_65 = vector.broadcast %mul3A_64 : f32 to vector<256x512xf32>
    %mul3A_66 = arith.mulf %mul3A_65, %add3A_63 : vector<256x512xf32>
    %mul3A_67 = arith.mulf %add3A_50, %mul3A_66 : vector<256x512xf32>
    %get3A_68 = arith.constant 0 : index
    %get3A_69 = arith.constant 0 : index
    %get3A_70 = vector.load %arg8[%get3A_68, %get3A_69] : memref<512x1024xf32, #tpu.memory_space<vmem>>, vector<512x1024xf32>
    %convert_element_type3A_71 = arith.truncf %mul3A_67 : vector<256x512xf32> to vector<256x512xbf16>
    %convert_element_type3A_72 = arith.truncf %get3A_70 : vector<512x1024xf32> to vector<512x1024xbf16>
    %dot_general3A_73 = arith.constant dense<0.000000e+00> : vector<256x1024xf32>
    %dot_general3A_74 = tpu.matmul %convert_element_type3A_71, %convert_element_type3A_72, %dot_general3A_73 {dimension_numbers = #tpu.dot_dimension_numbers<[1], [0], [0], [1], [0, 0, 1, 1], [], []>, transpose_lhs_hint = false} : vector<256x512xbf16>, vector<512x1024xbf16>, vector<256x1024xf32> -> vector<256x1024xf32>
    %get3A_75 = arith.constant 0 : index
    %get3A_76 = arith.constant 0 : index
    %get3A_77 = vector.load %arg9[%get3A_75, %get3A_76] : memref<1x1024xf32, #tpu.memory_space<vmem>>, vector<1x1024xf32>
    %add3A_78 = vector.broadcast %get3A_77 : vector<1x1024xf32> to vector<256x1024xf32>
    %add3A_79 = arith.addf %dot_general3A_74, %add3A_78 : vector<256x1024xf32>
    %swap3A_80 = arith.constant 0 : index
    %swap3A_81 = arith.constant 0 : index
    %swap3A_82 = vector.load %arg13[%swap3A_80, %swap3A_81] : memref<256x1024xf32, #tpu.memory_space<vmem>>, vector<256x1024xf32>
    tpu.vector_store %arg13[%swap3A_80, %swap3A_81], %add3A_79 {strides = array<i32>} : memref<256x1024xf32, #tpu.memory_space<vmem>>, vector<256x1024xf32>,
    %get3A_83 = arith.constant 0 : index
    %get3A_84 = arith.constant 0 : index
    %get3A_85 = vector.load %arg10[%get3A_83, %get3A_84] : memref<1024x1024xf32, #tpu.memory_space<vmem>>, vector<1024x1024xf32>
    %convert_element_type3A_86 = arith.truncf %get3A_1 : vector<256x1024xf32> to vector<256x1024xbf16>
    %convert_element_type3A_87 = arith.truncf %get3A_85 : vector<1024x1024xf32> to vector<1024x1024xbf16>
    %dot_general3A_88 = arith.constant dense<0.000000e+00> : vector<256x1024xf32>
    %dot_general3A_89 = tpu.matmul %convert_element_type3A_86, %convert_element_type3A_87, %dot_general3A_88 {dimension_numbers = #tpu.dot_dimension_numbers<[1], [0], [0], [1], [0, 0, 1, 1], [], []>, transpose_lhs_hint = false} : vector<256x1024xbf16>, vector<1024x1024xbf16>, vector<256x1024xf32> -> vector<256x1024xf32>
    %get3A_90 = arith.constant 0 : index
    %get3A_91 = arith.constant 0 : index
    %get3A_92 = vector.load %arg11[%get3A_90, %get3A_91] : memref<1x1024xf32, #tpu.memory_space<vmem>>, vector<1x1024xf32>
    %add3A_93 = vector.broadcast %get3A_92 : vector<1x1024xf32> to vector<256x1024xf32>
    %add3A_94 = arith.addf %dot_general3A_89, %add3A_93 : vector<256x1024xf32>
    %swap3A_95 = arith.constant 0 : index
    %swap3A_96 = arith.constant 0 : index
    %swap3A_97 = vector.load %arg14[%swap3A_95, %swap3A_96] : memref<256x1024xf32, #tpu.memory_space<vmem>>, vector<256x1024xf32>
    tpu.vector_store %arg14[%swap3A_95, %swap3A_96], %add3A_94 {strides = array<i32>} : memref<256x1024xf32, #tpu.memory_space<vmem>>, vector<256x1024xf32>,
    return
  }
  func.func @transform_0(%arg0: i32) -> (i32, i32) {
    %c0_i32 = arith.constant 0 : i32
    %c0_i32_0 = arith.constant 0 : i32
    return %arg0, %c0_i32 : i32, i32
  }
  func.func @transform_1(%arg0: i32) -> (i32, i32) {
    %c0_i32 = arith.constant 0 : i32
    %c0_i32_0 = arith.constant 0 : i32
    %c0_i32_1 = arith.constant 0 : i32
    return %c0_i32, %c0_i32_0 : i32, i32
  }
  func.func @transform_2(%arg0: i32) -> (i32, i32) {
    %c0_i32 = arith.constant 0 : i32
    %c0_i32_0 = arith.constant 0 : i32
    %c0_i32_1 = arith.constant 0 : i32
    return %c0_i32, %c0_i32_0 : i32, i32
  }
  func.func @transform_3(%arg0: i32) -> (i32, i32) {
    %c0_i32 = arith.constant 0 : i32
    %c0_i32_0 = arith.constant 0 : i32
    %c0_i32_1 = arith.constant 0 : i32
    return %c0_i32, %c0_i32_0 : i32, i32
  }
  func.func @transform_4(%arg0: i32) -> (i32, i32) {
    %c0_i32 = arith.constant 0 : i32
    %c0_i32_0 = arith.constant 0 : i32
    %c0_i32_1 = arith.constant 0 : i32
    return %c0_i32, %c0_i32_0 : i32, i32
  }
  func.func @transform_5(%arg0: i32) -> (i32, i32) {
    %c0_i32 = arith.constant 0 : i32
    %c0_i32_0 = arith.constant 0 : i32
    %c0_i32_1 = arith.constant 0 : i32
    return %c0_i32, %c0_i32_0 : i32, i32
  }
  func.func @transform_6(%arg0: i32) -> (i32, i32) {
    %c0_i32 = arith.constant 0 : i32
    %c0_i32_0 = arith.constant 0 : i32
    %c0_i32_1 = arith.constant 0 : i32
    return %c0_i32, %c0_i32_0 : i32, i32
  }
  func.func @transform_7(%arg0: i32) -> (i32, i32) {
    %c0_i32 = arith.constant 0 : i32
    %c0_i32_0 = arith.constant 0 : i32
    %c0_i32_1 = arith.constant 0 : i32
    return %c0_i32, %c0_i32_0 : i32, i32
  }
  func.func @transform_8(%arg0: i32) -> (i32, i32) {
    %c0_i32 = arith.constant 0 : i32
    %c0_i32_0 = arith.constant 0 : i32
    %c0_i32_1 = arith.constant 0 : i32
    return %c0_i32, %c0_i32_0 : i32, i32
  }
  func.func @transform_9(%arg0: i32) -> (i32, i32) {
    %c0_i32 = arith.constant 0 : i32
    %c0_i32_0 = arith.constant 0 : i32
    %c0_i32_1 = arith.constant 0 : i32
    return %c0_i32, %c0_i32_0 : i32, i32
  }
  func.func @transform_10(%arg0: i32) -> (i32, i32) {
    %c0_i32 = arith.constant 0 : i32
    %c0_i32_0 = arith.constant 0 : i32
    %c0_i32_1 = arith.constant 0 : i32
    return %c0_i32, %c0_i32_0 : i32, i32
  }
  func.func @transform_11(%arg0: i32) -> (i32, i32) {
    %c0_i32 = arith.constant 0 : i32
    %c0_i32_0 = arith.constant 0 : i32
    return %arg0, %c0_i32 : i32, i32
  }
  func.func @transform_12(%arg0: i32) -> (i32, i32) {
    %c0_i32 = arith.constant 0 : i32
    %c0_i32_0 = arith.constant 0 : i32
    return %arg0, %c0_i32 : i32, i32
  }
  func.func @transform_13(%arg0: i32) -> (i32, i32) {
    %c0_i32 = arith.constant 0 : i32
    %c0_i32_0 = arith.constant 0 : i32
    return %arg0, %c0_i32 : i32, i32
  }
}

module attributes {stable_mosaic.version = 14 : i64} {
  func.func @_attn_kernel(%arg0: i32, %arg1: memref<256x1024xf32, #tpu.memory_space<vmem>>, %arg2: memref<512x1024xf32, #tpu.memory_space<vmem>>, %arg3: memref<512x1024xf32, #tpu.memory_space<vmem>>, %arg4: memref<256x512xf32, #tpu.memory_space<vmem>>, %arg5: memref<256x1024xf32, #tpu.memory_space<vmem>>) attributes {dimension_semantics = [#tpu.dimension_semantics<arbitrary>], iteration_bounds = array<i64: 2>, scalar_prefetch = 0 : i64, scratch_operands = 0 : i64, tpu.core_type = #tpu.core_type<tc>, window_params = [{transform_indices = @transform_0, window_bounds = array<i64: 256, 1024>}, {pipeline_mode = #tpu.pipeline_mode<synchronous>, transform_indices = @transform_1, window_bounds = array<i64: 512, 1024>}, {pipeline_mode = #tpu.pipeline_mode<synchronous>, transform_indices = @transform_2, window_bounds = array<i64: 512, 1024>}, {transform_indices = @transform_3, window_bounds = array<i64: 256, 512>}, {transform_indices = @transform_4, window_bounds = array<i64: 256, 1024>}]} {
    %get3A = arith.constant 0 : index
    %get3A_0 = arith.constant 0 : index
    %get3A_1 = vector.load %arg1[%get3A, %get3A_0] : memref<256x1024xf32, #tpu.memory_space<vmem>>, vector<256x1024xf32>
    %convert_element_type3A = arith.truncf %get3A_1 : vector<256x1024xf32> to vector<256x1024xbf16>
    %get3A_2 = arith.constant 0 : index
    %get3A_3 = arith.constant 0 : index
    %get3A_4 = vector.load %arg2[%get3A_2, %get3A_3] : memref<512x1024xf32, #tpu.memory_space<vmem>>, vector<512x1024xf32>
    %convert_element_type3A_5 = arith.truncf %get3A_4 : vector<512x1024xf32> to vector<512x1024xbf16>
    %dot_general3A = arith.constant dense<0.000000e+00> : vector<256x512xf32>
    %dot_general3A_6 = tpu.matmul %convert_element_type3A, %convert_element_type3A_5, %dot_general3A {dimension_numbers = #tpu.dot_dimension_numbers<[1], [1], [0], [0], [0, 0, 1, 0], [], []>, transpose_lhs_hint = false} : vector<256x1024xbf16>, vector<512x1024xbf16>, vector<256x512xf32> -> vector<256x512xf32>
    %mul3A = arith.constant 3.125000e-02 : f32
    %mul3A_7 = vector.broadcast %mul3A : f32 to vector<256x512xf32>
    %mul3A_8 = arith.mulf %dot_general3A_6, %mul3A_7 : vector<256x512xf32>
    %get3A_9 = arith.constant 0 : index
    %get3A_10 = arith.constant 0 : index
    %get3A_11 = vector.load %arg4[%get3A_9, %get3A_10] : memref<256x512xf32, #tpu.memory_space<vmem>>, vector<256x512xf32>
    %add3A = arith.addf %mul3A_8, %get3A_11 : vector<256x512xf32>
    %reduce_max3A = arith.constant dense<0xFF800000> : vector<256xf32>
    %reduce_max3A_12 = vector.multi_reduction <maximumf>, %add3A, %reduce_max3A [1] : vector<256x512xf32> to vector<256xf32>
    %broadcast_in_dim3A = vector.shape_cast %reduce_max3A_12 : vector<256xf32> to vector<256x1xf32>
    %reduce_max3A_13 = arith.constant dense<0xFF800000> : vector<256xf32>
    %reduce_max3A_14 = vector.multi_reduction <maximumf>, %add3A, %reduce_max3A_13 [1] : vector<256x512xf32> to vector<256xf32>
    %broadcast_in_dim3A_15 = vector.shape_cast %reduce_max3A_14 : vector<256xf32> to vector<256x1xf32>
    %ge3A = vector.broadcast %broadcast_in_dim3A_15 : vector<256x1xf32> to vector<256x512xf32>
    %ge3A_16 = arith.cmpf oge, %add3A, %ge3A : vector<256x512xf32>
    %sub3A = vector.broadcast %broadcast_in_dim3A : vector<256x1xf32> to vector<256x512xf32>
    %sub3A_17 = arith.subf %add3A, %sub3A : vector<256x512xf32>
    %exp3A = math.exp %sub3A_17 : vector<256x512xf32>
    %jit3A = arith.constant 0.000000e+00 : f32
    %broadcast_in_dim3A_18 = vector.broadcast %jit3A : f32 to vector<256x512xf32>
    %select_n3A = arith.select %ge3A_16, %exp3A, %broadcast_in_dim3A_18 : vector<256x512xi1>, vector<256x512xf32>
    %reduce_sum3A = arith.constant dense<0.000000e+00> : vector<256xf32>
    %reduce_sum3A_19 = vector.multi_reduction <add>, %select_n3A, %reduce_sum3A [1] : vector<256x512xf32> to vector<256xf32>
    %broadcast_in_dim3A_20 = vector.shape_cast %reduce_sum3A_19 : vector<256xf32> to vector<256x1xf32>
    %div3A = vector.broadcast %broadcast_in_dim3A_20 : vector<256x1xf32> to vector<256x512xf32>
    %div3A_21 = arith.divf %select_n3A, %div3A : vector<256x512xf32>
    %get3A_22 = arith.constant 0 : index
    %get3A_23 = arith.constant 0 : index
    %get3A_24 = vector.load %arg3[%get3A_22, %get3A_23] : memref<512x1024xf32, #tpu.memory_space<vmem>>, vector<512x1024xf32>
    %convert_element_type3A_25 = arith.truncf %div3A_21 : vector<256x512xf32> to vector<256x512xbf16>
    %convert_element_type3A_26 = arith.truncf %get3A_24 : vector<512x1024xf32> to vector<512x1024xbf16>
    %dot_general3A_27 = arith.constant dense<0.000000e+00> : vector<256x1024xf32>
    %dot_general3A_28 = tpu.matmul %convert_element_type3A_25, %convert_element_type3A_26, %dot_general3A_27 {dimension_numbers = #tpu.dot_dimension_numbers<[1], [0], [0], [1], [0, 0, 1, 1], [], []>, transpose_lhs_hint = false} : vector<256x512xbf16>, vector<512x1024xbf16>, vector<256x1024xf32> -> vector<256x1024xf32>
    %swap3A = arith.constant 0 : index
    %swap3A_29 = arith.constant 0 : index
    %swap3A_30 = vector.load %arg5[%swap3A, %swap3A_29] : memref<256x1024xf32, #tpu.memory_space<vmem>>, vector<256x1024xf32>
    tpu.vector_store %arg5[%swap3A, %swap3A_29], %dot_general3A_28 {strides = array<i32>} : memref<256x1024xf32, #tpu.memory_space<vmem>>, vector<256x1024xf32>,
    return
  }
  func.func @transform_0(%arg0: i32) -> (i32, i32) {
    %c0_i32 = arith.constant 0 : i32
    %c0_i32_0 = arith.constant 0 : i32
    return %arg0, %c0_i32 : i32, i32
  }
  func.func @transform_1(%arg0: i32) -> (i32, i32) {
    %c0_i32 = arith.constant 0 : i32
    %c0_i32_0 = arith.constant 0 : i32
    %c0_i32_1 = arith.constant 0 : i32
    return %c0_i32, %c0_i32_0 : i32, i32
  }
  func.func @transform_2(%arg0: i32) -> (i32, i32) {
    %c0_i32 = arith.constant 0 : i32
    %c0_i32_0 = arith.constant 0 : i32
    %c0_i32_1 = arith.constant 0 : i32
    return %c0_i32, %c0_i32_0 : i32, i32
  }
  func.func @transform_3(%arg0: i32) -> (i32, i32) {
    %c0_i32 = arith.constant 0 : i32
    %c0_i32_0 = arith.constant 0 : i32
    return %arg0, %c0_i32 : i32, i32
  }
  func.func @transform_4(%arg0: i32) -> (i32, i32) {
    %c0_i32 = arith.constant 0 : i32
    %c0_i32_0 = arith.constant 0 : i32
    return %arg0, %c0_i32 : i32, i32
  }
}

module attributes {stable_mosaic.version = 14 : i64} {
  func.func @_gate_kernel(%arg0: i32, %arg1: memref<256x1024xf32, #tpu.memory_space<vmem>>, %arg2: memref<256x1024xf32, #tpu.memory_space<vmem>>, %arg3: memref<1024x1024xf32, #tpu.memory_space<vmem>>, %arg4: memref<1x1024xf32, #tpu.memory_space<vmem>>, %arg5: memref<1024x1024xf32, #tpu.memory_space<vmem>>, %arg6: memref<1024x1024xf32, #tpu.memory_space<vmem>>, %arg7: memref<1x1024xf32, #tpu.memory_space<vmem>>, %arg8: memref<1024x1024xf32, #tpu.memory_space<vmem>>, %arg9: memref<1x1024xf32, #tpu.memory_space<vmem>>, %arg10: memref<256x1024xf32, #tpu.memory_space<vmem>>) attributes {dimension_semantics = [#tpu.dimension_semantics<arbitrary>], iteration_bounds = array<i64: 2>, scalar_prefetch = 0 : i64, scratch_operands = 0 : i64, tpu.core_type = #tpu.core_type<tc>, window_params = [{transform_indices = @transform_0, window_bounds = array<i64: 256, 1024>}, {transform_indices = @transform_1, window_bounds = array<i64: 256, 1024>}, {pipeline_mode = #tpu.pipeline_mode<synchronous>, transform_indices = @transform_2, window_bounds = array<i64: 1024, 1024>}, {pipeline_mode = #tpu.pipeline_mode<synchronous>, transform_indices = @transform_3, window_bounds = array<i64: 1, 1024>}, {pipeline_mode = #tpu.pipeline_mode<synchronous>, transform_indices = @transform_4, window_bounds = array<i64: 1024, 1024>}, {pipeline_mode = #tpu.pipeline_mode<synchronous>, transform_indices = @transform_5, window_bounds = array<i64: 1024, 1024>}, {pipeline_mode = #tpu.pipeline_mode<synchronous>, transform_indices = @transform_6, window_bounds = array<i64: 1, 1024>}, {pipeline_mode = #tpu.pipeline_mode<synchronous>, transform_indices = @transform_7, window_bounds = array<i64: 1024, 1024>}, {pipeline_mode = #tpu.pipeline_mode<synchronous>, transform_indices = @transform_8, window_bounds = array<i64: 1, 1024>}, {transform_indices = @transform_9, window_bounds = array<i64: 256, 1024>}]} {
    %get3A = arith.constant 0 : index
    %get3A_0 = arith.constant 0 : index
    %get3A_1 = vector.load %arg1[%get3A, %get3A_0] : memref<256x1024xf32, #tpu.memory_space<vmem>>, vector<256x1024xf32>
    %get3A_2 = arith.constant 0 : index
    %get3A_3 = arith.constant 0 : index
    %get3A_4 = vector.load %arg2[%get3A_2, %get3A_3] : memref<256x1024xf32, #tpu.memory_space<vmem>>, vector<256x1024xf32>
    %get3A_5 = arith.constant 0 : index
    %get3A_6 = arith.constant 0 : index
    %get3A_7 = vector.load %arg3[%get3A_5, %get3A_6] : memref<1024x1024xf32, #tpu.memory_space<vmem>>, vector<1024x1024xf32>
    %convert_element_type3A = arith.truncf %get3A_4 : vector<256x1024xf32> to vector<256x1024xbf16>
    %convert_element_type3A_8 = arith.truncf %get3A_7 : vector<1024x1024xf32> to vector<1024x1024xbf16>
    %dot_general3A = arith.constant dense<0.000000e+00> : vector<256x1024xf32>
    %dot_general3A_9 = tpu.matmul %convert_element_type3A, %convert_element_type3A_8, %dot_general3A {dimension_numbers = #tpu.dot_dimension_numbers<[1], [0], [0], [1], [0, 0, 1, 1], [], []>, transpose_lhs_hint = false} : vector<256x1024xbf16>, vector<1024x1024xbf16>, vector<256x1024xf32> -> vector<256x1024xf32>
    %get3A_10 = arith.constant 0 : index
    %get3A_11 = arith.constant 0 : index
    %get3A_12 = vector.load %arg4[%get3A_10, %get3A_11] : memref<1x1024xf32, #tpu.memory_space<vmem>>, vector<1x1024xf32>
    %add3A = vector.broadcast %get3A_12 : vector<1x1024xf32> to vector<256x1024xf32>
    %add3A_13 = arith.addf %dot_general3A_9, %add3A : vector<256x1024xf32>
    %get3A_14 = arith.constant 0 : index
    %get3A_15 = arith.constant 0 : index
    %get3A_16 = vector.load %arg5[%get3A_14, %get3A_15] : memref<1024x1024xf32, #tpu.memory_space<vmem>>, vector<1024x1024xf32>
    %convert_element_type3A_17 = arith.truncf %get3A_1 : vector<256x1024xf32> to vector<256x1024xbf16>
    %convert_element_type3A_18 = arith.truncf %get3A_16 : vector<1024x1024xf32> to vector<1024x1024xbf16>
    %dot_general3A_19 = arith.constant dense<0.000000e+00> : vector<256x1024xf32>
    %dot_general3A_20 = tpu.matmul %convert_element_type3A_17, %convert_element_type3A_18, %dot_general3A_19 {dimension_numbers = #tpu.dot_dimension_numbers<[1], [0], [0], [1], [0, 0, 1, 1], [], []>, transpose_lhs_hint = false} : vector<256x1024xbf16>, vector<1024x1024xbf16>, vector<256x1024xf32> -> vector<256x1024xf32>
    %get3A_21 = arith.constant 0 : index
    %get3A_22 = arith.constant 0 : index
    %get3A_23 = vector.load %arg6[%get3A_21, %get3A_22] : memref<1024x1024xf32, #tpu.memory_space<vmem>>, vector<1024x1024xf32>
    %convert_element_type3A_24 = arith.truncf %add3A_13 : vector<256x1024xf32> to vector<256x1024xbf16>
    %convert_element_type3A_25 = arith.truncf %get3A_23 : vector<1024x1024xf32> to vector<1024x1024xbf16>
    %dot_general3A_26 = arith.constant dense<0.000000e+00> : vector<256x1024xf32>
    %dot_general3A_27 = tpu.matmul %convert_element_type3A_24, %convert_element_type3A_25, %dot_general3A_26 {dimension_numbers = #tpu.dot_dimension_numbers<[1], [0], [0], [1], [0, 0, 1, 1], [], []>, transpose_lhs_hint = false} : vector<256x1024xbf16>, vector<1024x1024xbf16>, vector<256x1024xf32> -> vector<256x1024xf32>
    %add3A_28 = arith.addf %dot_general3A_20, %dot_general3A_27 : vector<256x1024xf32>
    %get3A_29 = arith.constant 0 : index
    %get3A_30 = arith.constant 0 : index
    %get3A_31 = vector.load %arg7[%get3A_29, %get3A_30] : memref<1x1024xf32, #tpu.memory_space<vmem>>, vector<1x1024xf32>
    %add3A_32 = vector.broadcast %get3A_31 : vector<1x1024xf32> to vector<256x1024xf32>
    %add3A_33 = arith.addf %add3A_28, %add3A_32 : vector<256x1024xf32>
    %logistic3A = arith.negf %add3A_33 : vector<256x1024xf32>
    %logistic3A_34 = math.exp %logistic3A : vector<256x1024xf32>
    %logistic3A_35 = arith.constant 1.000000e+00 : f32
    %logistic3A_36 = vector.broadcast %logistic3A_35 : f32 to vector<256x1024xf32>
    %logistic3A_37 = arith.addf %logistic3A_36, %logistic3A_34 : vector<256x1024xf32>
    %logistic3A_38 = arith.divf %logistic3A_36, %logistic3A_37 : vector<256x1024xf32>
    %sub3A = arith.constant 1.000000e+00 : f32
    %sub3A_39 = vector.broadcast %sub3A : f32 to vector<256x1024xf32>
    %sub3A_40 = arith.subf %sub3A_39, %logistic3A_38 : vector<256x1024xf32>
    %mul3A = arith.mulf %get3A_1, %sub3A_40 : vector<256x1024xf32>
    %mul3A_41 = arith.mulf %add3A_13, %logistic3A_38 : vector<256x1024xf32>
    %add3A_42 = arith.addf %mul3A, %mul3A_41 : vector<256x1024xf32>
    %get3A_43 = arith.constant 0 : index
    %get3A_44 = arith.constant 0 : index
    %get3A_45 = vector.load %arg8[%get3A_43, %get3A_44] : memref<1024x1024xf32, #tpu.memory_space<vmem>>, vector<1024x1024xf32>
    %convert_element_type3A_46 = arith.truncf %add3A_42 : vector<256x1024xf32> to vector<256x1024xbf16>
    %convert_element_type3A_47 = arith.truncf %get3A_45 : vector<1024x1024xf32> to vector<1024x1024xbf16>
    %dot_general3A_48 = arith.constant dense<0.000000e+00> : vector<256x1024xf32>
    %dot_general3A_49 = tpu.matmul %convert_element_type3A_46, %convert_element_type3A_47, %dot_general3A_48 {dimension_numbers = #tpu.dot_dimension_numbers<[1], [0], [0], [1], [0, 0, 1, 1], [], []>, transpose_lhs_hint = false} : vector<256x1024xbf16>, vector<1024x1024xbf16>, vector<256x1024xf32> -> vector<256x1024xf32>
    %get3A_50 = arith.constant 0 : index
    %get3A_51 = arith.constant 0 : index
    %get3A_52 = vector.load %arg9[%get3A_50, %get3A_51] : memref<1x1024xf32, #tpu.memory_space<vmem>>, vector<1x1024xf32>
    %add3A_53 = vector.broadcast %get3A_52 : vector<1x1024xf32> to vector<256x1024xf32>
    %add3A_54 = arith.addf %dot_general3A_49, %add3A_53 : vector<256x1024xf32>
    %swap3A = arith.constant 0 : index
    %swap3A_55 = arith.constant 0 : index
    %swap3A_56 = vector.load %arg10[%swap3A, %swap3A_55] : memref<256x1024xf32, #tpu.memory_space<vmem>>, vector<256x1024xf32>
    tpu.vector_store %arg10[%swap3A, %swap3A_55], %add3A_54 {strides = array<i32>} : memref<256x1024xf32, #tpu.memory_space<vmem>>, vector<256x1024xf32>,
    return
  }
  func.func @transform_0(%arg0: i32) -> (i32, i32) {
    %c0_i32 = arith.constant 0 : i32
    %c0_i32_0 = arith.constant 0 : i32
    return %arg0, %c0_i32 : i32, i32
  }
  func.func @transform_1(%arg0: i32) -> (i32, i32) {
    %c0_i32 = arith.constant 0 : i32
    %c0_i32_0 = arith.constant 0 : i32
    return %arg0, %c0_i32 : i32, i32
  }
  func.func @transform_2(%arg0: i32) -> (i32, i32) {
    %c0_i32 = arith.constant 0 : i32
    %c0_i32_0 = arith.constant 0 : i32
    %c0_i32_1 = arith.constant 0 : i32
    return %c0_i32, %c0_i32_0 : i32, i32
  }
  func.func @transform_3(%arg0: i32) -> (i32, i32) {
    %c0_i32 = arith.constant 0 : i32
    %c0_i32_0 = arith.constant 0 : i32
    %c0_i32_1 = arith.constant 0 : i32
    return %c0_i32, %c0_i32_0 : i32, i32
  }
  func.func @transform_4(%arg0: i32) -> (i32, i32) {
    %c0_i32 = arith.constant 0 : i32
    %c0_i32_0 = arith.constant 0 : i32
    %c0_i32_1 = arith.constant 0 : i32
    return %c0_i32, %c0_i32_0 : i32, i32
  }
  func.func @transform_5(%arg0: i32) -> (i32, i32) {
    %c0_i32 = arith.constant 0 : i32
    %c0_i32_0 = arith.constant 0 : i32
    %c0_i32_1 = arith.constant 0 : i32
    return %c0_i32, %c0_i32_0 : i32, i32
  }
  func.func @transform_6(%arg0: i32) -> (i32, i32) {
    %c0_i32 = arith.constant 0 : i32
    %c0_i32_0 = arith.constant 0 : i32
    %c0_i32_1 = arith.constant 0 : i32
    return %c0_i32, %c0_i32_0 : i32, i32
  }
  func.func @transform_7(%arg0: i32) -> (i32, i32) {
    %c0_i32 = arith.constant 0 : i32
    %c0_i32_0 = arith.constant 0 : i32
    %c0_i32_1 = arith.constant 0 : i32
    return %c0_i32, %c0_i32_0 : i32, i32
  }
  func.func @transform_8(%arg0: i32) -> (i32, i32) {
    %c0_i32 = arith.constant 0 : i32
    %c0_i32_0 = arith.constant 0 : i32
    %c0_i32_1 = arith.constant 0 : i32
    return %c0_i32, %c0_i32_0 : i32, i32
  }
  func.func @transform_9(%arg0: i32) -> (i32, i32) {
    %c0_i32 = arith.constant 0 : i32
    %c0_i32_0 = arith.constant 0 : i32
    return %arg0, %c0_i32 : i32, i32
  }
}

module attributes {stable_mosaic.version = 14 : i64} {
  func.func @_linear_kernel(%arg0: i32, %arg1: memref<256x1024xf32, #tpu.memory_space<vmem>>, %arg2: memref<1024x1024xf32, #tpu.memory_space<vmem>>, %arg3: memref<1x1024xf32, #tpu.memory_space<vmem>>, %arg4: memref<256x1024xf32, #tpu.memory_space<vmem>>) attributes {dimension_semantics = [#tpu.dimension_semantics<arbitrary>], iteration_bounds = array<i64: 2>, scalar_prefetch = 0 : i64, scratch_operands = 0 : i64, tpu.core_type = #tpu.core_type<tc>, window_params = [{transform_indices = @transform_0, window_bounds = array<i64: 256, 1024>}, {pipeline_mode = #tpu.pipeline_mode<synchronous>, transform_indices = @transform_1, window_bounds = array<i64: 1024, 1024>}, {pipeline_mode = #tpu.pipeline_mode<synchronous>, transform_indices = @transform_2, window_bounds = array<i64: 1, 1024>}, {transform_indices = @transform_3, window_bounds = array<i64: 256, 1024>}]} {
    %get3A = arith.constant 0 : index
    %get3A_0 = arith.constant 0 : index
    %get3A_1 = vector.load %arg1[%get3A, %get3A_0] : memref<256x1024xf32, #tpu.memory_space<vmem>>, vector<256x1024xf32>
    %get3A_2 = arith.constant 0 : index
    %get3A_3 = arith.constant 0 : index
    %get3A_4 = vector.load %arg2[%get3A_2, %get3A_3] : memref<1024x1024xf32, #tpu.memory_space<vmem>>, vector<1024x1024xf32>
    %convert_element_type3A = arith.truncf %get3A_1 : vector<256x1024xf32> to vector<256x1024xbf16>
    %convert_element_type3A_5 = arith.truncf %get3A_4 : vector<1024x1024xf32> to vector<1024x1024xbf16>
    %dot_general3A = arith.constant dense<0.000000e+00> : vector<256x1024xf32>
    %dot_general3A_6 = tpu.matmul %convert_element_type3A, %convert_element_type3A_5, %dot_general3A {dimension_numbers = #tpu.dot_dimension_numbers<[1], [0], [0], [1], [0, 0, 1, 1], [], []>, transpose_lhs_hint = false} : vector<256x1024xbf16>, vector<1024x1024xbf16>, vector<256x1024xf32> -> vector<256x1024xf32>
    %get3A_7 = arith.constant 0 : index
    %get3A_8 = arith.constant 0 : index
    %get3A_9 = vector.load %arg3[%get3A_7, %get3A_8] : memref<1x1024xf32, #tpu.memory_space<vmem>>, vector<1x1024xf32>
    %add3A = vector.broadcast %get3A_9 : vector<1x1024xf32> to vector<256x1024xf32>
    %add3A_10 = arith.addf %dot_general3A_6, %add3A : vector<256x1024xf32>
    %swap3A = arith.constant 0 : index
    %swap3A_11 = arith.constant 0 : index
    %swap3A_12 = vector.load %arg4[%swap3A, %swap3A_11] : memref<256x1024xf32, #tpu.memory_space<vmem>>, vector<256x1024xf32>
    tpu.vector_store %arg4[%swap3A, %swap3A_11], %add3A_10 {strides = array<i32>} : memref<256x1024xf32, #tpu.memory_space<vmem>>, vector<256x1024xf32>,
    return
  }
  func.func @transform_0(%arg0: i32) -> (i32, i32) {
    %c0_i32 = arith.constant 0 : i32
    %c0_i32_0 = arith.constant 0 : i32
    return %arg0, %c0_i32 : i32, i32
  }
  func.func @transform_1(%arg0: i32) -> (i32, i32) {
    %c0_i32 = arith.constant 0 : i32
    %c0_i32_0 = arith.constant 0 : i32
    %c0_i32_1 = arith.constant 0 : i32
    return %c0_i32, %c0_i32_0 : i32, i32
  }
  func.func @transform_2(%arg0: i32) -> (i32, i32) {
    %c0_i32 = arith.constant 0 : i32
    %c0_i32_0 = arith.constant 0 : i32
    %c0_i32_1 = arith.constant 0 : i32
    return %c0_i32, %c0_i32_0 : i32, i32
  }
  func.func @transform_3(%arg0: i32) -> (i32, i32) {
    %c0_i32 = arith.constant 0 : i32
    %c0_i32_0 = arith.constant 0 : i32
    return %arg0, %c0_i32 : i32, i32
  }
}

module attributes {stable_mosaic.version = 14 : i64} {
  func.func @_blockagg_kernel(%arg0: i32, %arg1: memref<128x16x1024xf32, #tpu.memory_space<vmem>>, %arg2: memref<1024x1024xf32, #tpu.memory_space<vmem>>, %arg3: memref<1x1024xf32, #tpu.memory_space<vmem>>, %arg4: memref<128x1024xf32, #tpu.memory_space<vmem>>) attributes {dimension_semantics = [#tpu.dimension_semantics<arbitrary>], iteration_bounds = array<i64: 1>, scalar_prefetch = 0 : i64, scratch_operands = 0 : i64, tpu.core_type = #tpu.core_type<tc>, window_params = [{transform_indices = @transform_0, window_bounds = array<i64: 128, 16, 1024>}, {pipeline_mode = #tpu.pipeline_mode<synchronous>, transform_indices = @transform_1, window_bounds = array<i64: 1024, 1024>}, {pipeline_mode = #tpu.pipeline_mode<synchronous>, transform_indices = @transform_2, window_bounds = array<i64: 1, 1024>}, {transform_indices = @transform_3, window_bounds = array<i64: 128, 1024>}]} {
    %get3A = arith.constant 0 : index
    %get3A_0 = arith.constant 0 : index
    %get3A_1 = arith.constant 0 : index
    %get3A_2 = vector.load %arg1[%get3A, %get3A_0, %get3A_1] : memref<128x16x1024xf32, #tpu.memory_space<vmem>>, vector<128x16x1024xf32>
    %reduce_sum3A = arith.constant dense<0.000000e+00> : vector<128x1024xf32>
    %reduce_sum3A_3 = vector.multi_reduction <add>, %get3A_2, %reduce_sum3A [1] : vector<128x16x1024xf32> to vector<128x1024xf32>
    %div3A = arith.constant 1.600000e+01 : f32
    %div3A_4 = vector.broadcast %div3A : f32 to vector<128x1024xf32>
    %div3A_5 = arith.divf %reduce_sum3A_3, %div3A_4 : vector<128x1024xf32>
    %get3A_6 = arith.constant 0 : index
    %get3A_7 = arith.constant 0 : index
    %get3A_8 = vector.load %arg2[%get3A_6, %get3A_7] : memref<1024x1024xf32, #tpu.memory_space<vmem>>, vector<1024x1024xf32>
    %convert_element_type3A = arith.truncf %div3A_5 : vector<128x1024xf32> to vector<128x1024xbf16>
    %convert_element_type3A_9 = arith.truncf %get3A_8 : vector<1024x1024xf32> to vector<1024x1024xbf16>
    %dot_general3A = arith.constant dense<0.000000e+00> : vector<128x1024xf32>
    %dot_general3A_10 = tpu.matmul %convert_element_type3A, %convert_element_type3A_9, %dot_general3A {dimension_numbers = #tpu.dot_dimension_numbers<[1], [0], [0], [1], [0, 0, 1, 1], [], []>, transpose_lhs_hint = false} : vector<128x1024xbf16>, vector<1024x1024xbf16>, vector<128x1024xf32> -> vector<128x1024xf32>
    %get3A_11 = arith.constant 0 : index
    %get3A_12 = arith.constant 0 : index
    %get3A_13 = vector.load %arg3[%get3A_11, %get3A_12] : memref<1x1024xf32, #tpu.memory_space<vmem>>, vector<1x1024xf32>
    %add3A = vector.broadcast %get3A_13 : vector<1x1024xf32> to vector<128x1024xf32>
    %add3A_14 = arith.addf %dot_general3A_10, %add3A : vector<128x1024xf32>
    %integer_pow3A = arith.mulf %add3A_14, %add3A_14 : vector<128x1024xf32>
    %integer_pow3A_15 = arith.mulf %add3A_14, %integer_pow3A : vector<128x1024xf32>
    %mul3A = arith.constant 4.471500e-02 : f32
    %mul3A_16 = vector.broadcast %mul3A : f32 to vector<128x1024xf32>
    %mul3A_17 = arith.mulf %mul3A_16, %integer_pow3A_15 : vector<128x1024xf32>
    %add3A_18 = arith.addf %add3A_14, %mul3A_17 : vector<128x1024xf32>
    %mul3A_19 = arith.constant 0.797884583 : f32
    %mul3A_20 = vector.broadcast %mul3A_19 : f32 to vector<128x1024xf32>
    %mul3A_21 = arith.mulf %mul3A_20, %add3A_18 : vector<128x1024xf32>
    %tanh3A = math.tanh %mul3A_21 : vector<128x1024xf32>
    %add3A_22 = arith.constant 1.000000e+00 : f32
    %add3A_23 = vector.broadcast %add3A_22 : f32 to vector<128x1024xf32>
    %add3A_24 = arith.addf %add3A_23, %tanh3A : vector<128x1024xf32>
    %mul3A_25 = arith.constant 5.000000e-01 : f32
    %mul3A_26 = vector.broadcast %mul3A_25 : f32 to vector<128x1024xf32>
    %mul3A_27 = arith.mulf %mul3A_26, %add3A_24 : vector<128x1024xf32>
    %mul3A_28 = arith.mulf %add3A_14, %mul3A_27 : vector<128x1024xf32>
    %swap3A = arith.constant 0 : index
    %swap3A_29 = arith.constant 0 : index
    %swap3A_30 = vector.load %arg4[%swap3A, %swap3A_29] : memref<128x1024xf32, #tpu.memory_space<vmem>>, vector<128x1024xf32>
    tpu.vector_store %arg4[%swap3A, %swap3A_29], %mul3A_28 {strides = array<i32>} : memref<128x1024xf32, #tpu.memory_space<vmem>>, vector<128x1024xf32>,
    return
  }
  func.func @transform_0(%arg0: i32) -> (i32, i32, i32) {
    %c0_i32 = arith.constant 0 : i32
    %c0_i32_0 = arith.constant 0 : i32
    %c0_i32_1 = arith.constant 0 : i32
    return %arg0, %c0_i32, %c0_i32_0 : i32, i32, i32
  }
  func.func @transform_1(%arg0: i32) -> (i32, i32) {
    %c0_i32 = arith.constant 0 : i32
    %c0_i32_0 = arith.constant 0 : i32
    %c0_i32_1 = arith.constant 0 : i32
    return %c0_i32, %c0_i32_0 : i32, i32
  }
  func.func @transform_2(%arg0: i32) -> (i32, i32) {
    %c0_i32 = arith.constant 0 : i32
    %c0_i32_0 = arith.constant 0 : i32
    %c0_i32_1 = arith.constant 0 : i32
    return %c0_i32, %c0_i32_0 : i32, i32
  }
  func.func @transform_3(%arg0: i32) -> (i32, i32) {
    %c0_i32 = arith.constant 0 : i32
    %c0_i32_0 = arith.constant 0 : i32
    return %arg0, %c0_i32 : i32, i32
  }
}

module attributes {stable_mosaic.version = 14 : i64} {
  func.func @_pre_kernel(%arg0: i32, %arg1: memref<128x1024xf32, #tpu.memory_space<vmem>>, %arg2: memref<1024x512xf32, #tpu.memory_space<vmem>>, %arg3: memref<1x512xf32, #tpu.memory_space<vmem>>, %arg4: memref<512x1024xf32, #tpu.memory_space<vmem>>, %arg5: memref<1x1024xf32, #tpu.memory_space<vmem>>, %arg6: memref<1024x512xf32, #tpu.memory_space<vmem>>, %arg7: memref<1x512xf32, #tpu.memory_space<vmem>>, %arg8: memref<512x1024xf32, #tpu.memory_space<vmem>>, %arg9: memref<1x1024xf32, #tpu.memory_space<vmem>>, %arg10: memref<1024x1024xf32, #tpu.memory_space<vmem>>, %arg11: memref<1x1024xf32, #tpu.memory_space<vmem>>, %arg12: memref<128x1024xf32, #tpu.memory_space<vmem>>, %arg13: memref<128x1024xf32, #tpu.memory_space<vmem>>, %arg14: memref<128x1024xf32, #tpu.memory_space<vmem>>) attributes {dimension_semantics = [#tpu.dimension_semantics<arbitrary>], iteration_bounds = array<i64: 1>, scalar_prefetch = 0 : i64, scratch_operands = 0 : i64, tpu.core_type = #tpu.core_type<tc>, window_params = [{transform_indices = @transform_0, window_bounds = array<i64: 128, 1024>}, {pipeline_mode = #tpu.pipeline_mode<synchronous>, transform_indices = @transform_1, window_bounds = array<i64: 1024, 512>}, {pipeline_mode = #tpu.pipeline_mode<synchronous>, transform_indices = @transform_2, window_bounds = array<i64: 1, 512>}, {pipeline_mode = #tpu.pipeline_mode<synchronous>, transform_indices = @transform_3, window_bounds = array<i64: 512, 1024>}, {pipeline_mode = #tpu.pipeline_mode<synchronous>, transform_indices = @transform_4, window_bounds = array<i64: 1, 1024>}, {pipeline_mode = #tpu.pipeline_mode<synchronous>, transform_indices = @transform_5, window_bounds = array<i64: 1024, 512>}, {pipeline_mode = #tpu.pipeline_mode<synchronous>, transform_indices = @transform_6, window_bounds = array<i64: 1, 512>}, {pipeline_mode = #tpu.pipeline_mode<synchronous>, transform_indices = @transform_7, window_bounds = array<i64: 512, 1024>}, {pipeline_mode = #tpu.pipeline_mode<synchronous>, transform_indices = @transform_8, window_bounds = array<i64: 1, 1024>}, {pipeline_mode = #tpu.pipeline_mode<synchronous>, transform_indices = @transform_9, window_bounds = array<i64: 1024, 1024>}, {pipeline_mode = #tpu.pipeline_mode<synchronous>, transform_indices = @transform_10, window_bounds = array<i64: 1, 1024>}, {transform_indices = @transform_11, window_bounds = array<i64: 128, 1024>}, {transform_indices = @transform_12, window_bounds = array<i64: 128, 1024>}, {transform_indices = @transform_13, window_bounds = array<i64: 128, 1024>}]} {
    %get3A = arith.constant 0 : index
    %get3A_0 = arith.constant 0 : index
    %get3A_1 = vector.load %arg1[%get3A, %get3A_0] : memref<128x1024xf32, #tpu.memory_space<vmem>>, vector<128x1024xf32>
    %get3A_2 = arith.constant 0 : index
    %get3A_3 = arith.constant 0 : index
    %get3A_4 = vector.load %arg2[%get3A_2, %get3A_3] : memref<1024x512xf32, #tpu.memory_space<vmem>>, vector<1024x512xf32>
    %convert_element_type3A = arith.truncf %get3A_1 : vector<128x1024xf32> to vector<128x1024xbf16>
    %convert_element_type3A_5 = arith.truncf %get3A_4 : vector<1024x512xf32> to vector<1024x512xbf16>
    %dot_general3A = arith.constant dense<0.000000e+00> : vector<128x512xf32>
    %dot_general3A_6 = tpu.matmul %convert_element_type3A, %convert_element_type3A_5, %dot_general3A {dimension_numbers = #tpu.dot_dimension_numbers<[1], [0], [0], [1], [0, 0, 1, 1], [], []>, transpose_lhs_hint = false} : vector<128x1024xbf16>, vector<1024x512xbf16>, vector<128x512xf32> -> vector<128x512xf32>
    %get3A_7 = arith.constant 0 : index
    %get3A_8 = arith.constant 0 : index
    %get3A_9 = vector.load %arg3[%get3A_7, %get3A_8] : memref<1x512xf32, #tpu.memory_space<vmem>>, vector<1x512xf32>
    %add3A = vector.broadcast %get3A_9 : vector<1x512xf32> to vector<128x512xf32>
    %add3A_10 = arith.addf %dot_general3A_6, %add3A : vector<128x512xf32>
    %integer_pow3A = arith.mulf %add3A_10, %add3A_10 : vector<128x512xf32>
    %integer_pow3A_11 = arith.mulf %add3A_10, %integer_pow3A : vector<128x512xf32>
    %mul3A = arith.constant 4.471500e-02 : f32
    %mul3A_12 = vector.broadcast %mul3A : f32 to vector<128x512xf32>
    %mul3A_13 = arith.mulf %mul3A_12, %integer_pow3A_11 : vector<128x512xf32>
    %add3A_14 = arith.addf %add3A_10, %mul3A_13 : vector<128x512xf32>
    %mul3A_15 = arith.constant 0.797884583 : f32
    %mul3A_16 = vector.broadcast %mul3A_15 : f32 to vector<128x512xf32>
    %mul3A_17 = arith.mulf %mul3A_16, %add3A_14 : vector<128x512xf32>
    %tanh3A = math.tanh %mul3A_17 : vector<128x512xf32>
    %add3A_18 = arith.constant 1.000000e+00 : f32
    %add3A_19 = vector.broadcast %add3A_18 : f32 to vector<128x512xf32>
    %add3A_20 = arith.addf %add3A_19, %tanh3A : vector<128x512xf32>
    %mul3A_21 = arith.constant 5.000000e-01 : f32
    %mul3A_22 = vector.broadcast %mul3A_21 : f32 to vector<128x512xf32>
    %mul3A_23 = arith.mulf %mul3A_22, %add3A_20 : vector<128x512xf32>
    %mul3A_24 = arith.mulf %add3A_10, %mul3A_23 : vector<128x512xf32>
    %get3A_25 = arith.constant 0 : index
    %get3A_26 = arith.constant 0 : index
    %get3A_27 = vector.load %arg4[%get3A_25, %get3A_26] : memref<512x1024xf32, #tpu.memory_space<vmem>>, vector<512x1024xf32>
    %convert_element_type3A_28 = arith.truncf %mul3A_24 : vector<128x512xf32> to vector<128x512xbf16>
    %convert_element_type3A_29 = arith.truncf %get3A_27 : vector<512x1024xf32> to vector<512x1024xbf16>
    %dot_general3A_30 = arith.constant dense<0.000000e+00> : vector<128x1024xf32>
    %dot_general3A_31 = tpu.matmul %convert_element_type3A_28, %convert_element_type3A_29, %dot_general3A_30 {dimension_numbers = #tpu.dot_dimension_numbers<[1], [0], [0], [1], [0, 0, 1, 1], [], []>, transpose_lhs_hint = false} : vector<128x512xbf16>, vector<512x1024xbf16>, vector<128x1024xf32> -> vector<128x1024xf32>
    %get3A_32 = arith.constant 0 : index
    %get3A_33 = arith.constant 0 : index
    %get3A_34 = vector.load %arg5[%get3A_32, %get3A_33] : memref<1x1024xf32, #tpu.memory_space<vmem>>, vector<1x1024xf32>
    %add3A_35 = vector.broadcast %get3A_34 : vector<1x1024xf32> to vector<128x1024xf32>
    %add3A_36 = arith.addf %dot_general3A_31, %add3A_35 : vector<128x1024xf32>
    %swap3A = arith.constant 0 : index
    %swap3A_37 = arith.constant 0 : index
    %swap3A_38 = vector.load %arg12[%swap3A, %swap3A_37] : memref<128x1024xf32, #tpu.memory_space<vmem>>, vector<128x1024xf32>
    tpu.vector_store %arg12[%swap3A, %swap3A_37], %add3A_36 {strides = array<i32>} : memref<128x1024xf32, #tpu.memory_space<vmem>>, vector<128x1024xf32>,
    %get3A_39 = arith.constant 0 : index
    %get3A_40 = arith.constant 0 : index
    %get3A_41 = vector.load %arg6[%get3A_39, %get3A_40] : memref<1024x512xf32, #tpu.memory_space<vmem>>, vector<1024x512xf32>
    %convert_element_type3A_42 = arith.truncf %get3A_1 : vector<128x1024xf32> to vector<128x1024xbf16>
    %convert_element_type3A_43 = arith.truncf %get3A_41 : vector<1024x512xf32> to vector<1024x512xbf16>
    %dot_general3A_44 = arith.constant dense<0.000000e+00> : vector<128x512xf32>
    %dot_general3A_45 = tpu.matmul %convert_element_type3A_42, %convert_element_type3A_43, %dot_general3A_44 {dimension_numbers = #tpu.dot_dimension_numbers<[1], [0], [0], [1], [0, 0, 1, 1], [], []>, transpose_lhs_hint = false} : vector<128x1024xbf16>, vector<1024x512xbf16>, vector<128x512xf32> -> vector<128x512xf32>
    %get3A_46 = arith.constant 0 : index
    %get3A_47 = arith.constant 0 : index
    %get3A_48 = vector.load %arg7[%get3A_46, %get3A_47] : memref<1x512xf32, #tpu.memory_space<vmem>>, vector<1x512xf32>
    %add3A_49 = vector.broadcast %get3A_48 : vector<1x512xf32> to vector<128x512xf32>
    %add3A_50 = arith.addf %dot_general3A_45, %add3A_49 : vector<128x512xf32>
    %integer_pow3A_51 = arith.mulf %add3A_50, %add3A_50 : vector<128x512xf32>
    %integer_pow3A_52 = arith.mulf %add3A_50, %integer_pow3A_51 : vector<128x512xf32>
    %mul3A_53 = arith.constant 4.471500e-02 : f32
    %mul3A_54 = vector.broadcast %mul3A_53 : f32 to vector<128x512xf32>
    %mul3A_55 = arith.mulf %mul3A_54, %integer_pow3A_52 : vector<128x512xf32>
    %add3A_56 = arith.addf %add3A_50, %mul3A_55 : vector<128x512xf32>
    %mul3A_57 = arith.constant 0.797884583 : f32
    %mul3A_58 = vector.broadcast %mul3A_57 : f32 to vector<128x512xf32>
    %mul3A_59 = arith.mulf %mul3A_58, %add3A_56 : vector<128x512xf32>
    %tanh3A_60 = math.tanh %mul3A_59 : vector<128x512xf32>
    %add3A_61 = arith.constant 1.000000e+00 : f32
    %add3A_62 = vector.broadcast %add3A_61 : f32 to vector<128x512xf32>
    %add3A_63 = arith.addf %add3A_62, %tanh3A_60 : vector<128x512xf32>
    %mul3A_64 = arith.constant 5.000000e-01 : f32
    %mul3A_65 = vector.broadcast %mul3A_64 : f32 to vector<128x512xf32>
    %mul3A_66 = arith.mulf %mul3A_65, %add3A_63 : vector<128x512xf32>
    %mul3A_67 = arith.mulf %add3A_50, %mul3A_66 : vector<128x512xf32>
    %get3A_68 = arith.constant 0 : index
    %get3A_69 = arith.constant 0 : index
    %get3A_70 = vector.load %arg8[%get3A_68, %get3A_69] : memref<512x1024xf32, #tpu.memory_space<vmem>>, vector<512x1024xf32>
    %convert_element_type3A_71 = arith.truncf %mul3A_67 : vector<128x512xf32> to vector<128x512xbf16>
    %convert_element_type3A_72 = arith.truncf %get3A_70 : vector<512x1024xf32> to vector<512x1024xbf16>
    %dot_general3A_73 = arith.constant dense<0.000000e+00> : vector<128x1024xf32>
    %dot_general3A_74 = tpu.matmul %convert_element_type3A_71, %convert_element_type3A_72, %dot_general3A_73 {dimension_numbers = #tpu.dot_dimension_numbers<[1], [0], [0], [1], [0, 0, 1, 1], [], []>, transpose_lhs_hint = false} : vector<128x512xbf16>, vector<512x1024xbf16>, vector<128x1024xf32> -> vector<128x1024xf32>
    %get3A_75 = arith.constant 0 : index
    %get3A_76 = arith.constant 0 : index
    %get3A_77 = vector.load %arg9[%get3A_75, %get3A_76] : memref<1x1024xf32, #tpu.memory_space<vmem>>, vector<1x1024xf32>
    %add3A_78 = vector.broadcast %get3A_77 : vector<1x1024xf32> to vector<128x1024xf32>
    %add3A_79 = arith.addf %dot_general3A_74, %add3A_78 : vector<128x1024xf32>
    %swap3A_80 = arith.constant 0 : index
    %swap3A_81 = arith.constant 0 : index
    %swap3A_82 = vector.load %arg13[%swap3A_80, %swap3A_81] : memref<128x1024xf32, #tpu.memory_space<vmem>>, vector<128x1024xf32>
    tpu.vector_store %arg13[%swap3A_80, %swap3A_81], %add3A_79 {strides = array<i32>} : memref<128x1024xf32, #tpu.memory_space<vmem>>, vector<128x1024xf32>,
    %get3A_83 = arith.constant 0 : index
    %get3A_84 = arith.constant 0 : index
    %get3A_85 = vector.load %arg10[%get3A_83, %get3A_84] : memref<1024x1024xf32, #tpu.memory_space<vmem>>, vector<1024x1024xf32>
    %convert_element_type3A_86 = arith.truncf %get3A_1 : vector<128x1024xf32> to vector<128x1024xbf16>
    %convert_element_type3A_87 = arith.truncf %get3A_85 : vector<1024x1024xf32> to vector<1024x1024xbf16>
    %dot_general3A_88 = arith.constant dense<0.000000e+00> : vector<128x1024xf32>
    %dot_general3A_89 = tpu.matmul %convert_element_type3A_86, %convert_element_type3A_87, %dot_general3A_88 {dimension_numbers = #tpu.dot_dimension_numbers<[1], [0], [0], [1], [0, 0, 1, 1], [], []>, transpose_lhs_hint = false} : vector<128x1024xbf16>, vector<1024x1024xbf16>, vector<128x1024xf32> -> vector<128x1024xf32>
    %get3A_90 = arith.constant 0 : index
    %get3A_91 = arith.constant 0 : index
    %get3A_92 = vector.load %arg11[%get3A_90, %get3A_91] : memref<1x1024xf32, #tpu.memory_space<vmem>>, vector<1x1024xf32>
    %add3A_93 = vector.broadcast %get3A_92 : vector<1x1024xf32> to vector<128x1024xf32>
    %add3A_94 = arith.addf %dot_general3A_89, %add3A_93 : vector<128x1024xf32>
    %swap3A_95 = arith.constant 0 : index
    %swap3A_96 = arith.constant 0 : index
    %swap3A_97 = vector.load %arg14[%swap3A_95, %swap3A_96] : memref<128x1024xf32, #tpu.memory_space<vmem>>, vector<128x1024xf32>
    tpu.vector_store %arg14[%swap3A_95, %swap3A_96], %add3A_94 {strides = array<i32>} : memref<128x1024xf32, #tpu.memory_space<vmem>>, vector<128x1024xf32>,
    return
  }
  func.func @transform_0(%arg0: i32) -> (i32, i32) {
    %c0_i32 = arith.constant 0 : i32
    %c0_i32_0 = arith.constant 0 : i32
    return %arg0, %c0_i32 : i32, i32
  }
  func.func @transform_1(%arg0: i32) -> (i32, i32) {
    %c0_i32 = arith.constant 0 : i32
    %c0_i32_0 = arith.constant 0 : i32
    %c0_i32_1 = arith.constant 0 : i32
    return %c0_i32, %c0_i32_0 : i32, i32
  }
  func.func @transform_2(%arg0: i32) -> (i32, i32) {
    %c0_i32 = arith.constant 0 : i32
    %c0_i32_0 = arith.constant 0 : i32
    %c0_i32_1 = arith.constant 0 : i32
    return %c0_i32, %c0_i32_0 : i32, i32
  }
  func.func @transform_3(%arg0: i32) -> (i32, i32) {
    %c0_i32 = arith.constant 0 : i32
    %c0_i32_0 = arith.constant 0 : i32
    %c0_i32_1 = arith.constant 0 : i32
    return %c0_i32, %c0_i32_0 : i32, i32
  }
  func.func @transform_4(%arg0: i32) -> (i32, i32) {
    %c0_i32 = arith.constant 0 : i32
    %c0_i32_0 = arith.constant 0 : i32
    %c0_i32_1 = arith.constant 0 : i32
    return %c0_i32, %c0_i32_0 : i32, i32
  }
  func.func @transform_5(%arg0: i32) -> (i32, i32) {
    %c0_i32 = arith.constant 0 : i32
    %c0_i32_0 = arith.constant 0 : i32
    %c0_i32_1 = arith.constant 0 : i32
    return %c0_i32, %c0_i32_0 : i32, i32
  }
  func.func @transform_6(%arg0: i32) -> (i32, i32) {
    %c0_i32 = arith.constant 0 : i32
    %c0_i32_0 = arith.constant 0 : i32
    %c0_i32_1 = arith.constant 0 : i32
    return %c0_i32, %c0_i32_0 : i32, i32
  }
  func.func @transform_7(%arg0: i32) -> (i32, i32) {
    %c0_i32 = arith.constant 0 : i32
    %c0_i32_0 = arith.constant 0 : i32
    %c0_i32_1 = arith.constant 0 : i32
    return %c0_i32, %c0_i32_0 : i32, i32
  }
  func.func @transform_8(%arg0: i32) -> (i32, i32) {
    %c0_i32 = arith.constant 0 : i32
    %c0_i32_0 = arith.constant 0 : i32
    %c0_i32_1 = arith.constant 0 : i32
    return %c0_i32, %c0_i32_0 : i32, i32
  }
  func.func @transform_9(%arg0: i32) -> (i32, i32) {
    %c0_i32 = arith.constant 0 : i32
    %c0_i32_0 = arith.constant 0 : i32
    %c0_i32_1 = arith.constant 0 : i32
    return %c0_i32, %c0_i32_0 : i32, i32
  }
  func.func @transform_10(%arg0: i32) -> (i32, i32) {
    %c0_i32 = arith.constant 0 : i32
    %c0_i32_0 = arith.constant 0 : i32
    %c0_i32_1 = arith.constant 0 : i32
    return %c0_i32, %c0_i32_0 : i32, i32
  }
  func.func @transform_11(%arg0: i32) -> (i32, i32) {
    %c0_i32 = arith.constant 0 : i32
    %c0_i32_0 = arith.constant 0 : i32
    return %arg0, %c0_i32 : i32, i32
  }
  func.func @transform_12(%arg0: i32) -> (i32, i32) {
    %c0_i32 = arith.constant 0 : i32
    %c0_i32_0 = arith.constant 0 : i32
    return %arg0, %c0_i32 : i32, i32
  }
  func.func @transform_13(%arg0: i32) -> (i32, i32) {
    %c0_i32 = arith.constant 0 : i32
    %c0_i32_0 = arith.constant 0 : i32
    return %arg0, %c0_i32 : i32, i32
  }
}

module attributes {stable_mosaic.version = 14 : i64} {
  func.func @_attn_kernel(%arg0: i32, %arg1: memref<128x1024xf32, #tpu.memory_space<vmem>>, %arg2: memref<128x1024xf32, #tpu.memory_space<vmem>>, %arg3: memref<128x1024xf32, #tpu.memory_space<vmem>>, %arg4: memref<128x128xf32, #tpu.memory_space<vmem>>, %arg5: memref<128x1024xf32, #tpu.memory_space<vmem>>) attributes {dimension_semantics = [#tpu.dimension_semantics<arbitrary>], iteration_bounds = array<i64: 1>, scalar_prefetch = 0 : i64, scratch_operands = 0 : i64, tpu.core_type = #tpu.core_type<tc>, window_params = [{transform_indices = @transform_0, window_bounds = array<i64: 128, 1024>}, {pipeline_mode = #tpu.pipeline_mode<synchronous>, transform_indices = @transform_1, window_bounds = array<i64: 128, 1024>}, {pipeline_mode = #tpu.pipeline_mode<synchronous>, transform_indices = @transform_2, window_bounds = array<i64: 128, 1024>}, {transform_indices = @transform_3, window_bounds = array<i64: 128, 128>}, {transform_indices = @transform_4, window_bounds = array<i64: 128, 1024>}]} {
    %get3A = arith.constant 0 : index
    %get3A_0 = arith.constant 0 : index
    %get3A_1 = vector.load %arg1[%get3A, %get3A_0] : memref<128x1024xf32, #tpu.memory_space<vmem>>, vector<128x1024xf32>
    %convert_element_type3A = arith.truncf %get3A_1 : vector<128x1024xf32> to vector<128x1024xbf16>
    %get3A_2 = arith.constant 0 : index
    %get3A_3 = arith.constant 0 : index
    %get3A_4 = vector.load %arg2[%get3A_2, %get3A_3] : memref<128x1024xf32, #tpu.memory_space<vmem>>, vector<128x1024xf32>
    %convert_element_type3A_5 = arith.truncf %get3A_4 : vector<128x1024xf32> to vector<128x1024xbf16>
    %dot_general3A = arith.constant dense<0.000000e+00> : vector<128x128xf32>
    %dot_general3A_6 = tpu.matmul %convert_element_type3A, %convert_element_type3A_5, %dot_general3A {dimension_numbers = #tpu.dot_dimension_numbers<[1], [1], [0], [0], [0, 0, 1, 0], [], []>, transpose_lhs_hint = false} : vector<128x1024xbf16>, vector<128x1024xbf16>, vector<128x128xf32> -> vector<128x128xf32>
    %mul3A = arith.constant 3.125000e-02 : f32
    %mul3A_7 = vector.broadcast %mul3A : f32 to vector<128x128xf32>
    %mul3A_8 = arith.mulf %dot_general3A_6, %mul3A_7 : vector<128x128xf32>
    %get3A_9 = arith.constant 0 : index
    %get3A_10 = arith.constant 0 : index
    %get3A_11 = vector.load %arg4[%get3A_9, %get3A_10] : memref<128x128xf32, #tpu.memory_space<vmem>>, vector<128x128xf32>
    %add3A = arith.addf %mul3A_8, %get3A_11 : vector<128x128xf32>
    %reduce_max3A = arith.constant dense<0xFF800000> : vector<128xf32>
    %reduce_max3A_12 = vector.multi_reduction <maximumf>, %add3A, %reduce_max3A [1] : vector<128x128xf32> to vector<128xf32>
    %broadcast_in_dim3A = vector.shape_cast %reduce_max3A_12 : vector<128xf32> to vector<128x1xf32>
    %reduce_max3A_13 = arith.constant dense<0xFF800000> : vector<128xf32>
    %reduce_max3A_14 = vector.multi_reduction <maximumf>, %add3A, %reduce_max3A_13 [1] : vector<128x128xf32> to vector<128xf32>
    %broadcast_in_dim3A_15 = vector.shape_cast %reduce_max3A_14 : vector<128xf32> to vector<128x1xf32>
    %ge3A = vector.broadcast %broadcast_in_dim3A_15 : vector<128x1xf32> to vector<128x128xf32>
    %ge3A_16 = arith.cmpf oge, %add3A, %ge3A : vector<128x128xf32>
    %sub3A = vector.broadcast %broadcast_in_dim3A : vector<128x1xf32> to vector<128x128xf32>
    %sub3A_17 = arith.subf %add3A, %sub3A : vector<128x128xf32>
    %exp3A = math.exp %sub3A_17 : vector<128x128xf32>
    %jit3A = arith.constant 0.000000e+00 : f32
    %broadcast_in_dim3A_18 = vector.broadcast %jit3A : f32 to vector<128x128xf32>
    %select_n3A = arith.select %ge3A_16, %exp3A, %broadcast_in_dim3A_18 : vector<128x128xi1>, vector<128x128xf32>
    %reduce_sum3A = arith.constant dense<0.000000e+00> : vector<128xf32>
    %reduce_sum3A_19 = vector.multi_reduction <add>, %select_n3A, %reduce_sum3A [1] : vector<128x128xf32> to vector<128xf32>
    %broadcast_in_dim3A_20 = vector.shape_cast %reduce_sum3A_19 : vector<128xf32> to vector<128x1xf32>
    %div3A = vector.broadcast %broadcast_in_dim3A_20 : vector<128x1xf32> to vector<128x128xf32>
    %div3A_21 = arith.divf %select_n3A, %div3A : vector<128x128xf32>
    %get3A_22 = arith.constant 0 : index
    %get3A_23 = arith.constant 0 : index
    %get3A_24 = vector.load %arg3[%get3A_22, %get3A_23] : memref<128x1024xf32, #tpu.memory_space<vmem>>, vector<128x1024xf32>
    %convert_element_type3A_25 = arith.truncf %div3A_21 : vector<128x128xf32> to vector<128x128xbf16>
    %convert_element_type3A_26 = arith.truncf %get3A_24 : vector<128x1024xf32> to vector<128x1024xbf16>
    %dot_general3A_27 = arith.constant dense<0.000000e+00> : vector<128x1024xf32>
    %dot_general3A_28 = tpu.matmul %convert_element_type3A_25, %convert_element_type3A_26, %dot_general3A_27 {dimension_numbers = #tpu.dot_dimension_numbers<[1], [0], [0], [1], [0, 0, 1, 1], [], []>, transpose_lhs_hint = false} : vector<128x128xbf16>, vector<128x1024xbf16>, vector<128x1024xf32> -> vector<128x1024xf32>
    %swap3A = arith.constant 0 : index
    %swap3A_29 = arith.constant 0 : index
    %swap3A_30 = vector.load %arg5[%swap3A, %swap3A_29] : memref<128x1024xf32, #tpu.memory_space<vmem>>, vector<128x1024xf32>
    tpu.vector_store %arg5[%swap3A, %swap3A_29], %dot_general3A_28 {strides = array<i32>} : memref<128x1024xf32, #tpu.memory_space<vmem>>, vector<128x1024xf32>,
    return
  }
  func.func @transform_0(%arg0: i32) -> (i32, i32) {
    %c0_i32 = arith.constant 0 : i32
    %c0_i32_0 = arith.constant 0 : i32
    return %arg0, %c0_i32 : i32, i32
  }
  func.func @transform_1(%arg0: i32) -> (i32, i32) {
    %c0_i32 = arith.constant 0 : i32
    %c0_i32_0 = arith.constant 0 : i32
    %c0_i32_1 = arith.constant 0 : i32
    return %c0_i32, %c0_i32_0 : i32, i32
  }
  func.func @transform_2(%arg0: i32) -> (i32, i32) {
    %c0_i32 = arith.constant 0 : i32
    %c0_i32_0 = arith.constant 0 : i32
    %c0_i32_1 = arith.constant 0 : i32
    return %c0_i32, %c0_i32_0 : i32, i32
  }
  func.func @transform_3(%arg0: i32) -> (i32, i32) {
    %c0_i32 = arith.constant 0 : i32
    %c0_i32_0 = arith.constant 0 : i32
    return %arg0, %c0_i32 : i32, i32
  }
  func.func @transform_4(%arg0: i32) -> (i32, i32) {
    %c0_i32 = arith.constant 0 : i32
    %c0_i32_0 = arith.constant 0 : i32
    return %arg0, %c0_i32 : i32, i32
  }
}

module attributes {stable_mosaic.version = 14 : i64} {
  func.func @_gate_kernel(%arg0: i32, %arg1: memref<128x1024xf32, #tpu.memory_space<vmem>>, %arg2: memref<128x1024xf32, #tpu.memory_space<vmem>>, %arg3: memref<1024x1024xf32, #tpu.memory_space<vmem>>, %arg4: memref<1x1024xf32, #tpu.memory_space<vmem>>, %arg5: memref<1024x1024xf32, #tpu.memory_space<vmem>>, %arg6: memref<1024x1024xf32, #tpu.memory_space<vmem>>, %arg7: memref<1x1024xf32, #tpu.memory_space<vmem>>, %arg8: memref<1024x1024xf32, #tpu.memory_space<vmem>>, %arg9: memref<1x1024xf32, #tpu.memory_space<vmem>>, %arg10: memref<128x1024xf32, #tpu.memory_space<vmem>>) attributes {dimension_semantics = [#tpu.dimension_semantics<arbitrary>], iteration_bounds = array<i64: 1>, scalar_prefetch = 0 : i64, scratch_operands = 0 : i64, tpu.core_type = #tpu.core_type<tc>, window_params = [{transform_indices = @transform_0, window_bounds = array<i64: 128, 1024>}, {transform_indices = @transform_1, window_bounds = array<i64: 128, 1024>}, {pipeline_mode = #tpu.pipeline_mode<synchronous>, transform_indices = @transform_2, window_bounds = array<i64: 1024, 1024>}, {pipeline_mode = #tpu.pipeline_mode<synchronous>, transform_indices = @transform_3, window_bounds = array<i64: 1, 1024>}, {pipeline_mode = #tpu.pipeline_mode<synchronous>, transform_indices = @transform_4, window_bounds = array<i64: 1024, 1024>}, {pipeline_mode = #tpu.pipeline_mode<synchronous>, transform_indices = @transform_5, window_bounds = array<i64: 1024, 1024>}, {pipeline_mode = #tpu.pipeline_mode<synchronous>, transform_indices = @transform_6, window_bounds = array<i64: 1, 1024>}, {pipeline_mode = #tpu.pipeline_mode<synchronous>, transform_indices = @transform_7, window_bounds = array<i64: 1024, 1024>}, {pipeline_mode = #tpu.pipeline_mode<synchronous>, transform_indices = @transform_8, window_bounds = array<i64: 1, 1024>}, {transform_indices = @transform_9, window_bounds = array<i64: 128, 1024>}]} {
    %get3A = arith.constant 0 : index
    %get3A_0 = arith.constant 0 : index
    %get3A_1 = vector.load %arg1[%get3A, %get3A_0] : memref<128x1024xf32, #tpu.memory_space<vmem>>, vector<128x1024xf32>
    %get3A_2 = arith.constant 0 : index
    %get3A_3 = arith.constant 0 : index
    %get3A_4 = vector.load %arg2[%get3A_2, %get3A_3] : memref<128x1024xf32, #tpu.memory_space<vmem>>, vector<128x1024xf32>
    %get3A_5 = arith.constant 0 : index
    %get3A_6 = arith.constant 0 : index
    %get3A_7 = vector.load %arg3[%get3A_5, %get3A_6] : memref<1024x1024xf32, #tpu.memory_space<vmem>>, vector<1024x1024xf32>
    %convert_element_type3A = arith.truncf %get3A_4 : vector<128x1024xf32> to vector<128x1024xbf16>
    %convert_element_type3A_8 = arith.truncf %get3A_7 : vector<1024x1024xf32> to vector<1024x1024xbf16>
    %dot_general3A = arith.constant dense<0.000000e+00> : vector<128x1024xf32>
    %dot_general3A_9 = tpu.matmul %convert_element_type3A, %convert_element_type3A_8, %dot_general3A {dimension_numbers = #tpu.dot_dimension_numbers<[1], [0], [0], [1], [0, 0, 1, 1], [], []>, transpose_lhs_hint = false} : vector<128x1024xbf16>, vector<1024x1024xbf16>, vector<128x1024xf32> -> vector<128x1024xf32>
    %get3A_10 = arith.constant 0 : index
    %get3A_11 = arith.constant 0 : index
    %get3A_12 = vector.load %arg4[%get3A_10, %get3A_11] : memref<1x1024xf32, #tpu.memory_space<vmem>>, vector<1x1024xf32>
    %add3A = vector.broadcast %get3A_12 : vector<1x1024xf32> to vector<128x1024xf32>
    %add3A_13 = arith.addf %dot_general3A_9, %add3A : vector<128x1024xf32>
    %get3A_14 = arith.constant 0 : index
    %get3A_15 = arith.constant 0 : index
    %get3A_16 = vector.load %arg5[%get3A_14, %get3A_15] : memref<1024x1024xf32, #tpu.memory_space<vmem>>, vector<1024x1024xf32>
    %convert_element_type3A_17 = arith.truncf %get3A_1 : vector<128x1024xf32> to vector<128x1024xbf16>
    %convert_element_type3A_18 = arith.truncf %get3A_16 : vector<1024x1024xf32> to vector<1024x1024xbf16>
    %dot_general3A_19 = arith.constant dense<0.000000e+00> : vector<128x1024xf32>
    %dot_general3A_20 = tpu.matmul %convert_element_type3A_17, %convert_element_type3A_18, %dot_general3A_19 {dimension_numbers = #tpu.dot_dimension_numbers<[1], [0], [0], [1], [0, 0, 1, 1], [], []>, transpose_lhs_hint = false} : vector<128x1024xbf16>, vector<1024x1024xbf16>, vector<128x1024xf32> -> vector<128x1024xf32>
    %get3A_21 = arith.constant 0 : index
    %get3A_22 = arith.constant 0 : index
    %get3A_23 = vector.load %arg6[%get3A_21, %get3A_22] : memref<1024x1024xf32, #tpu.memory_space<vmem>>, vector<1024x1024xf32>
    %convert_element_type3A_24 = arith.truncf %add3A_13 : vector<128x1024xf32> to vector<128x1024xbf16>
    %convert_element_type3A_25 = arith.truncf %get3A_23 : vector<1024x1024xf32> to vector<1024x1024xbf16>
    %dot_general3A_26 = arith.constant dense<0.000000e+00> : vector<128x1024xf32>
    %dot_general3A_27 = tpu.matmul %convert_element_type3A_24, %convert_element_type3A_25, %dot_general3A_26 {dimension_numbers = #tpu.dot_dimension_numbers<[1], [0], [0], [1], [0, 0, 1, 1], [], []>, transpose_lhs_hint = false} : vector<128x1024xbf16>, vector<1024x1024xbf16>, vector<128x1024xf32> -> vector<128x1024xf32>
    %add3A_28 = arith.addf %dot_general3A_20, %dot_general3A_27 : vector<128x1024xf32>
    %get3A_29 = arith.constant 0 : index
    %get3A_30 = arith.constant 0 : index
    %get3A_31 = vector.load %arg7[%get3A_29, %get3A_30] : memref<1x1024xf32, #tpu.memory_space<vmem>>, vector<1x1024xf32>
    %add3A_32 = vector.broadcast %get3A_31 : vector<1x1024xf32> to vector<128x1024xf32>
    %add3A_33 = arith.addf %add3A_28, %add3A_32 : vector<128x1024xf32>
    %logistic3A = arith.negf %add3A_33 : vector<128x1024xf32>
    %logistic3A_34 = math.exp %logistic3A : vector<128x1024xf32>
    %logistic3A_35 = arith.constant 1.000000e+00 : f32
    %logistic3A_36 = vector.broadcast %logistic3A_35 : f32 to vector<128x1024xf32>
    %logistic3A_37 = arith.addf %logistic3A_36, %logistic3A_34 : vector<128x1024xf32>
    %logistic3A_38 = arith.divf %logistic3A_36, %logistic3A_37 : vector<128x1024xf32>
    %sub3A = arith.constant 1.000000e+00 : f32
    %sub3A_39 = vector.broadcast %sub3A : f32 to vector<128x1024xf32>
    %sub3A_40 = arith.subf %sub3A_39, %logistic3A_38 : vector<128x1024xf32>
    %mul3A = arith.mulf %get3A_1, %sub3A_40 : vector<128x1024xf32>
    %mul3A_41 = arith.mulf %add3A_13, %logistic3A_38 : vector<128x1024xf32>
    %add3A_42 = arith.addf %mul3A, %mul3A_41 : vector<128x1024xf32>
    %get3A_43 = arith.constant 0 : index
    %get3A_44 = arith.constant 0 : index
    %get3A_45 = vector.load %arg8[%get3A_43, %get3A_44] : memref<1024x1024xf32, #tpu.memory_space<vmem>>, vector<1024x1024xf32>
    %convert_element_type3A_46 = arith.truncf %add3A_42 : vector<128x1024xf32> to vector<128x1024xbf16>
    %convert_element_type3A_47 = arith.truncf %get3A_45 : vector<1024x1024xf32> to vector<1024x1024xbf16>
    %dot_general3A_48 = arith.constant dense<0.000000e+00> : vector<128x1024xf32>
    %dot_general3A_49 = tpu.matmul %convert_element_type3A_46, %convert_element_type3A_47, %dot_general3A_48 {dimension_numbers = #tpu.dot_dimension_numbers<[1], [0], [0], [1], [0, 0, 1, 1], [], []>, transpose_lhs_hint = false} : vector<128x1024xbf16>, vector<1024x1024xbf16>, vector<128x1024xf32> -> vector<128x1024xf32>
    %get3A_50 = arith.constant 0 : index
    %get3A_51 = arith.constant 0 : index
    %get3A_52 = vector.load %arg9[%get3A_50, %get3A_51] : memref<1x1024xf32, #tpu.memory_space<vmem>>, vector<1x1024xf32>
    %add3A_53 = vector.broadcast %get3A_52 : vector<1x1024xf32> to vector<128x1024xf32>
    %add3A_54 = arith.addf %dot_general3A_49, %add3A_53 : vector<128x1024xf32>
    %swap3A = arith.constant 0 : index
    %swap3A_55 = arith.constant 0 : index
    %swap3A_56 = vector.load %arg10[%swap3A, %swap3A_55] : memref<128x1024xf32, #tpu.memory_space<vmem>>, vector<128x1024xf32>
    tpu.vector_store %arg10[%swap3A, %swap3A_55], %add3A_54 {strides = array<i32>} : memref<128x1024xf32, #tpu.memory_space<vmem>>, vector<128x1024xf32>,
    return
  }
  func.func @transform_0(%arg0: i32) -> (i32, i32) {
    %c0_i32 = arith.constant 0 : i32
    %c0_i32_0 = arith.constant 0 : i32
    return %arg0, %c0_i32 : i32, i32
  }
  func.func @transform_1(%arg0: i32) -> (i32, i32) {
    %c0_i32 = arith.constant 0 : i32
    %c0_i32_0 = arith.constant 0 : i32
    return %arg0, %c0_i32 : i32, i32
  }
  func.func @transform_2(%arg0: i32) -> (i32, i32) {
    %c0_i32 = arith.constant 0 : i32
    %c0_i32_0 = arith.constant 0 : i32
    %c0_i32_1 = arith.constant 0 : i32
    return %c0_i32, %c0_i32_0 : i32, i32
  }
  func.func @transform_3(%arg0: i32) -> (i32, i32) {
    %c0_i32 = arith.constant 0 : i32
    %c0_i32_0 = arith.constant 0 : i32
    %c0_i32_1 = arith.constant 0 : i32
    return %c0_i32, %c0_i32_0 : i32, i32
  }
  func.func @transform_4(%arg0: i32) -> (i32, i32) {
    %c0_i32 = arith.constant 0 : i32
    %c0_i32_0 = arith.constant 0 : i32
    %c0_i32_1 = arith.constant 0 : i32
    return %c0_i32, %c0_i32_0 : i32, i32
  }
  func.func @transform_5(%arg0: i32) -> (i32, i32) {
    %c0_i32 = arith.constant 0 : i32
    %c0_i32_0 = arith.constant 0 : i32
    %c0_i32_1 = arith.constant 0 : i32
    return %c0_i32, %c0_i32_0 : i32, i32
  }
  func.func @transform_6(%arg0: i32) -> (i32, i32) {
    %c0_i32 = arith.constant 0 : i32
    %c0_i32_0 = arith.constant 0 : i32
    %c0_i32_1 = arith.constant 0 : i32
    return %c0_i32, %c0_i32_0 : i32, i32
  }
  func.func @transform_7(%arg0: i32) -> (i32, i32) {
    %c0_i32 = arith.constant 0 : i32
    %c0_i32_0 = arith.constant 0 : i32
    %c0_i32_1 = arith.constant 0 : i32
    return %c0_i32, %c0_i32_0 : i32, i32
  }
  func.func @transform_8(%arg0: i32) -> (i32, i32) {
    %c0_i32 = arith.constant 0 : i32
    %c0_i32_0 = arith.constant 0 : i32
    %c0_i32_1 = arith.constant 0 : i32
    return %c0_i32, %c0_i32_0 : i32, i32
  }
  func.func @transform_9(%arg0: i32) -> (i32, i32) {
    %c0_i32 = arith.constant 0 : i32
    %c0_i32_0 = arith.constant 0 : i32
    return %arg0, %c0_i32 : i32, i32
  }
}

module attributes {stable_mosaic.version = 14 : i64} {
  func.func @_linear_kernel(%arg0: i32, %arg1: memref<128x1024xf32, #tpu.memory_space<vmem>>, %arg2: memref<1024x1024xf32, #tpu.memory_space<vmem>>, %arg3: memref<1x1024xf32, #tpu.memory_space<vmem>>, %arg4: memref<128x1024xf32, #tpu.memory_space<vmem>>) attributes {dimension_semantics = [#tpu.dimension_semantics<arbitrary>], iteration_bounds = array<i64: 1>, scalar_prefetch = 0 : i64, scratch_operands = 0 : i64, tpu.core_type = #tpu.core_type<tc>, window_params = [{transform_indices = @transform_0, window_bounds = array<i64: 128, 1024>}, {pipeline_mode = #tpu.pipeline_mode<synchronous>, transform_indices = @transform_1, window_bounds = array<i64: 1024, 1024>}, {pipeline_mode = #tpu.pipeline_mode<synchronous>, transform_indices = @transform_2, window_bounds = array<i64: 1, 1024>}, {transform_indices = @transform_3, window_bounds = array<i64: 128, 1024>}]} {
    %get3A = arith.constant 0 : index
    %get3A_0 = arith.constant 0 : index
    %get3A_1 = vector.load %arg1[%get3A, %get3A_0] : memref<128x1024xf32, #tpu.memory_space<vmem>>, vector<128x1024xf32>
    %get3A_2 = arith.constant 0 : index
    %get3A_3 = arith.constant 0 : index
    %get3A_4 = vector.load %arg2[%get3A_2, %get3A_3] : memref<1024x1024xf32, #tpu.memory_space<vmem>>, vector<1024x1024xf32>
    %convert_element_type3A = arith.truncf %get3A_1 : vector<128x1024xf32> to vector<128x1024xbf16>
    %convert_element_type3A_5 = arith.truncf %get3A_4 : vector<1024x1024xf32> to vector<1024x1024xbf16>
    %dot_general3A = arith.constant dense<0.000000e+00> : vector<128x1024xf32>
    %dot_general3A_6 = tpu.matmul %convert_element_type3A, %convert_element_type3A_5, %dot_general3A {dimension_numbers = #tpu.dot_dimension_numbers<[1], [0], [0], [1], [0, 0, 1, 1], [], []>, transpose_lhs_hint = false} : vector<128x1024xbf16>, vector<1024x1024xbf16>, vector<128x1024xf32> -> vector<128x1024xf32>
    %get3A_7 = arith.constant 0 : index
    %get3A_8 = arith.constant 0 : index
    %get3A_9 = vector.load %arg3[%get3A_7, %get3A_8] : memref<1x1024xf32, #tpu.memory_space<vmem>>, vector<1x1024xf32>
    %add3A = vector.broadcast %get3A_9 : vector<1x1024xf32> to vector<128x1024xf32>
    %add3A_10 = arith.addf %dot_general3A_6, %add3A : vector<128x1024xf32>
    %swap3A = arith.constant 0 : index
    %swap3A_11 = arith.constant 0 : index
    %swap3A_12 = vector.load %arg4[%swap3A, %swap3A_11] : memref<128x1024xf32, #tpu.memory_space<vmem>>, vector<128x1024xf32>
    tpu.vector_store %arg4[%swap3A, %swap3A_11], %add3A_10 {strides = array<i32>} : memref<128x1024xf32, #tpu.memory_space<vmem>>, vector<128x1024xf32>,
    return
  }
  func.func @transform_0(%arg0: i32) -> (i32, i32) {
    %c0_i32 = arith.constant 0 : i32
    %c0_i32_0 = arith.constant 0 : i32
    return %arg0, %c0_i32 : i32, i32
  }
  func.func @transform_1(%arg0: i32) -> (i32, i32) {
    %c0_i32 = arith.constant 0 : i32
    %c0_i32_0 = arith.constant 0 : i32
    %c0_i32_1 = arith.constant 0 : i32
    return %c0_i32, %c0_i32_0 : i32, i32
  }
  func.func @transform_2(%arg0: i32) -> (i32, i32) {
    %c0_i32 = arith.constant 0 : i32
    %c0_i32_0 = arith.constant 0 : i32
    %c0_i32_1 = arith.constant 0 : i32
    return %c0_i32, %c0_i32_0 : i32, i32
  }
  func.func @transform_3(%arg0: i32) -> (i32, i32) {
    %c0_i32 = arith.constant 0 : i32
    %c0_i32_0 = arith.constant 0 : i32
    return %arg0, %c0_i32 : i32, i32
  }
}

module attributes {stable_mosaic.version = 14 : i64} {
  func.func @_pre_kernel(%arg0: i32, %arg1: memref<256x1024xf32, #tpu.memory_space<vmem>>, %arg2: memref<1024x512xf32, #tpu.memory_space<vmem>>, %arg3: memref<1x512xf32, #tpu.memory_space<vmem>>, %arg4: memref<512x1024xf32, #tpu.memory_space<vmem>>, %arg5: memref<1x1024xf32, #tpu.memory_space<vmem>>, %arg6: memref<1024x512xf32, #tpu.memory_space<vmem>>, %arg7: memref<1x512xf32, #tpu.memory_space<vmem>>, %arg8: memref<512x1024xf32, #tpu.memory_space<vmem>>, %arg9: memref<1x1024xf32, #tpu.memory_space<vmem>>, %arg10: memref<1024x1024xf32, #tpu.memory_space<vmem>>, %arg11: memref<1x1024xf32, #tpu.memory_space<vmem>>, %arg12: memref<256x1024xf32, #tpu.memory_space<vmem>>, %arg13: memref<256x1024xf32, #tpu.memory_space<vmem>>, %arg14: memref<256x1024xf32, #tpu.memory_space<vmem>>) attributes {dimension_semantics = [#tpu.dimension_semantics<arbitrary>], iteration_bounds = array<i64: 8>, scalar_prefetch = 0 : i64, scratch_operands = 0 : i64, tpu.core_type = #tpu.core_type<tc>, window_params = [{transform_indices = @transform_0, window_bounds = array<i64: 256, 1024>}, {pipeline_mode = #tpu.pipeline_mode<synchronous>, transform_indices = @transform_1, window_bounds = array<i64: 1024, 512>}, {pipeline_mode = #tpu.pipeline_mode<synchronous>, transform_indices = @transform_2, window_bounds = array<i64: 1, 512>}, {pipeline_mode = #tpu.pipeline_mode<synchronous>, transform_indices = @transform_3, window_bounds = array<i64: 512, 1024>}, {pipeline_mode = #tpu.pipeline_mode<synchronous>, transform_indices = @transform_4, window_bounds = array<i64: 1, 1024>}, {pipeline_mode = #tpu.pipeline_mode<synchronous>, transform_indices = @transform_5, window_bounds = array<i64: 1024, 512>}, {pipeline_mode = #tpu.pipeline_mode<synchronous>, transform_indices = @transform_6, window_bounds = array<i64: 1, 512>}, {pipeline_mode = #tpu.pipeline_mode<synchronous>, transform_indices = @transform_7, window_bounds = array<i64: 512, 1024>}, {pipeline_mode = #tpu.pipeline_mode<synchronous>, transform_indices = @transform_8, window_bounds = array<i64: 1, 1024>}, {pipeline_mode = #tpu.pipeline_mode<synchronous>, transform_indices = @transform_9, window_bounds = array<i64: 1024, 1024>}, {pipeline_mode = #tpu.pipeline_mode<synchronous>, transform_indices = @transform_10, window_bounds = array<i64: 1, 1024>}, {transform_indices = @transform_11, window_bounds = array<i64: 256, 1024>}, {transform_indices = @transform_12, window_bounds = array<i64: 256, 1024>}, {transform_indices = @transform_13, window_bounds = array<i64: 256, 1024>}]} {
    %get3A = arith.constant 0 : index
    %get3A_0 = arith.constant 0 : index
    %get3A_1 = vector.load %arg1[%get3A, %get3A_0] : memref<256x1024xf32, #tpu.memory_space<vmem>>, vector<256x1024xf32>
    %get3A_2 = arith.constant 0 : index
    %get3A_3 = arith.constant 0 : index
    %get3A_4 = vector.load %arg2[%get3A_2, %get3A_3] : memref<1024x512xf32, #tpu.memory_space<vmem>>, vector<1024x512xf32>
    %convert_element_type3A = arith.truncf %get3A_1 : vector<256x1024xf32> to vector<256x1024xbf16>
    %convert_element_type3A_5 = arith.truncf %get3A_4 : vector<1024x512xf32> to vector<1024x512xbf16>
    %dot_general3A = arith.constant dense<0.000000e+00> : vector<256x512xf32>
    %dot_general3A_6 = tpu.matmul %convert_element_type3A, %convert_element_type3A_5, %dot_general3A {dimension_numbers = #tpu.dot_dimension_numbers<[1], [0], [0], [1], [0, 0, 1, 1], [], []>, transpose_lhs_hint = false} : vector<256x1024xbf16>, vector<1024x512xbf16>, vector<256x512xf32> -> vector<256x512xf32>
    %get3A_7 = arith.constant 0 : index
    %get3A_8 = arith.constant 0 : index
    %get3A_9 = vector.load %arg3[%get3A_7, %get3A_8] : memref<1x512xf32, #tpu.memory_space<vmem>>, vector<1x512xf32>
    %add3A = vector.broadcast %get3A_9 : vector<1x512xf32> to vector<256x512xf32>
    %add3A_10 = arith.addf %dot_general3A_6, %add3A : vector<256x512xf32>
    %integer_pow3A = arith.mulf %add3A_10, %add3A_10 : vector<256x512xf32>
    %integer_pow3A_11 = arith.mulf %add3A_10, %integer_pow3A : vector<256x512xf32>
    %mul3A = arith.constant 4.471500e-02 : f32
    %mul3A_12 = vector.broadcast %mul3A : f32 to vector<256x512xf32>
    %mul3A_13 = arith.mulf %mul3A_12, %integer_pow3A_11 : vector<256x512xf32>
    %add3A_14 = arith.addf %add3A_10, %mul3A_13 : vector<256x512xf32>
    %mul3A_15 = arith.constant 0.797884583 : f32
    %mul3A_16 = vector.broadcast %mul3A_15 : f32 to vector<256x512xf32>
    %mul3A_17 = arith.mulf %mul3A_16, %add3A_14 : vector<256x512xf32>
    %tanh3A = math.tanh %mul3A_17 : vector<256x512xf32>
    %add3A_18 = arith.constant 1.000000e+00 : f32
    %add3A_19 = vector.broadcast %add3A_18 : f32 to vector<256x512xf32>
    %add3A_20 = arith.addf %add3A_19, %tanh3A : vector<256x512xf32>
    %mul3A_21 = arith.constant 5.000000e-01 : f32
    %mul3A_22 = vector.broadcast %mul3A_21 : f32 to vector<256x512xf32>
    %mul3A_23 = arith.mulf %mul3A_22, %add3A_20 : vector<256x512xf32>
    %mul3A_24 = arith.mulf %add3A_10, %mul3A_23 : vector<256x512xf32>
    %get3A_25 = arith.constant 0 : index
    %get3A_26 = arith.constant 0 : index
    %get3A_27 = vector.load %arg4[%get3A_25, %get3A_26] : memref<512x1024xf32, #tpu.memory_space<vmem>>, vector<512x1024xf32>
    %convert_element_type3A_28 = arith.truncf %mul3A_24 : vector<256x512xf32> to vector<256x512xbf16>
    %convert_element_type3A_29 = arith.truncf %get3A_27 : vector<512x1024xf32> to vector<512x1024xbf16>
    %dot_general3A_30 = arith.constant dense<0.000000e+00> : vector<256x1024xf32>
    %dot_general3A_31 = tpu.matmul %convert_element_type3A_28, %convert_element_type3A_29, %dot_general3A_30 {dimension_numbers = #tpu.dot_dimension_numbers<[1], [0], [0], [1], [0, 0, 1, 1], [], []>, transpose_lhs_hint = false} : vector<256x512xbf16>, vector<512x1024xbf16>, vector<256x1024xf32> -> vector<256x1024xf32>
    %get3A_32 = arith.constant 0 : index
    %get3A_33 = arith.constant 0 : index
    %get3A_34 = vector.load %arg5[%get3A_32, %get3A_33] : memref<1x1024xf32, #tpu.memory_space<vmem>>, vector<1x1024xf32>
    %add3A_35 = vector.broadcast %get3A_34 : vector<1x1024xf32> to vector<256x1024xf32>
    %add3A_36 = arith.addf %dot_general3A_31, %add3A_35 : vector<256x1024xf32>
    %swap3A = arith.constant 0 : index
    %swap3A_37 = arith.constant 0 : index
    %swap3A_38 = vector.load %arg12[%swap3A, %swap3A_37] : memref<256x1024xf32, #tpu.memory_space<vmem>>, vector<256x1024xf32>
    tpu.vector_store %arg12[%swap3A, %swap3A_37], %add3A_36 {strides = array<i32>} : memref<256x1024xf32, #tpu.memory_space<vmem>>, vector<256x1024xf32>,
    %get3A_39 = arith.constant 0 : index
    %get3A_40 = arith.constant 0 : index
    %get3A_41 = vector.load %arg6[%get3A_39, %get3A_40] : memref<1024x512xf32, #tpu.memory_space<vmem>>, vector<1024x512xf32>
    %convert_element_type3A_42 = arith.truncf %get3A_1 : vector<256x1024xf32> to vector<256x1024xbf16>
    %convert_element_type3A_43 = arith.truncf %get3A_41 : vector<1024x512xf32> to vector<1024x512xbf16>
    %dot_general3A_44 = arith.constant dense<0.000000e+00> : vector<256x512xf32>
    %dot_general3A_45 = tpu.matmul %convert_element_type3A_42, %convert_element_type3A_43, %dot_general3A_44 {dimension_numbers = #tpu.dot_dimension_numbers<[1], [0], [0], [1], [0, 0, 1, 1], [], []>, transpose_lhs_hint = false} : vector<256x1024xbf16>, vector<1024x512xbf16>, vector<256x512xf32> -> vector<256x512xf32>
    %get3A_46 = arith.constant 0 : index
    %get3A_47 = arith.constant 0 : index
    %get3A_48 = vector.load %arg7[%get3A_46, %get3A_47] : memref<1x512xf32, #tpu.memory_space<vmem>>, vector<1x512xf32>
    %add3A_49 = vector.broadcast %get3A_48 : vector<1x512xf32> to vector<256x512xf32>
    %add3A_50 = arith.addf %dot_general3A_45, %add3A_49 : vector<256x512xf32>
    %integer_pow3A_51 = arith.mulf %add3A_50, %add3A_50 : vector<256x512xf32>
    %integer_pow3A_52 = arith.mulf %add3A_50, %integer_pow3A_51 : vector<256x512xf32>
    %mul3A_53 = arith.constant 4.471500e-02 : f32
    %mul3A_54 = vector.broadcast %mul3A_53 : f32 to vector<256x512xf32>
    %mul3A_55 = arith.mulf %mul3A_54, %integer_pow3A_52 : vector<256x512xf32>
    %add3A_56 = arith.addf %add3A_50, %mul3A_55 : vector<256x512xf32>
    %mul3A_57 = arith.constant 0.797884583 : f32
    %mul3A_58 = vector.broadcast %mul3A_57 : f32 to vector<256x512xf32>
    %mul3A_59 = arith.mulf %mul3A_58, %add3A_56 : vector<256x512xf32>
    %tanh3A_60 = math.tanh %mul3A_59 : vector<256x512xf32>
    %add3A_61 = arith.constant 1.000000e+00 : f32
    %add3A_62 = vector.broadcast %add3A_61 : f32 to vector<256x512xf32>
    %add3A_63 = arith.addf %add3A_62, %tanh3A_60 : vector<256x512xf32>
    %mul3A_64 = arith.constant 5.000000e-01 : f32
    %mul3A_65 = vector.broadcast %mul3A_64 : f32 to vector<256x512xf32>
    %mul3A_66 = arith.mulf %mul3A_65, %add3A_63 : vector<256x512xf32>
    %mul3A_67 = arith.mulf %add3A_50, %mul3A_66 : vector<256x512xf32>
    %get3A_68 = arith.constant 0 : index
    %get3A_69 = arith.constant 0 : index
    %get3A_70 = vector.load %arg8[%get3A_68, %get3A_69] : memref<512x1024xf32, #tpu.memory_space<vmem>>, vector<512x1024xf32>
    %convert_element_type3A_71 = arith.truncf %mul3A_67 : vector<256x512xf32> to vector<256x512xbf16>
    %convert_element_type3A_72 = arith.truncf %get3A_70 : vector<512x1024xf32> to vector<512x1024xbf16>
    %dot_general3A_73 = arith.constant dense<0.000000e+00> : vector<256x1024xf32>
    %dot_general3A_74 = tpu.matmul %convert_element_type3A_71, %convert_element_type3A_72, %dot_general3A_73 {dimension_numbers = #tpu.dot_dimension_numbers<[1], [0], [0], [1], [0, 0, 1, 1], [], []>, transpose_lhs_hint = false} : vector<256x512xbf16>, vector<512x1024xbf16>, vector<256x1024xf32> -> vector<256x1024xf32>
    %get3A_75 = arith.constant 0 : index
    %get3A_76 = arith.constant 0 : index
    %get3A_77 = vector.load %arg9[%get3A_75, %get3A_76] : memref<1x1024xf32, #tpu.memory_space<vmem>>, vector<1x1024xf32>
    %add3A_78 = vector.broadcast %get3A_77 : vector<1x1024xf32> to vector<256x1024xf32>
    %add3A_79 = arith.addf %dot_general3A_74, %add3A_78 : vector<256x1024xf32>
    %swap3A_80 = arith.constant 0 : index
    %swap3A_81 = arith.constant 0 : index
    %swap3A_82 = vector.load %arg13[%swap3A_80, %swap3A_81] : memref<256x1024xf32, #tpu.memory_space<vmem>>, vector<256x1024xf32>
    tpu.vector_store %arg13[%swap3A_80, %swap3A_81], %add3A_79 {strides = array<i32>} : memref<256x1024xf32, #tpu.memory_space<vmem>>, vector<256x1024xf32>,
    %get3A_83 = arith.constant 0 : index
    %get3A_84 = arith.constant 0 : index
    %get3A_85 = vector.load %arg10[%get3A_83, %get3A_84] : memref<1024x1024xf32, #tpu.memory_space<vmem>>, vector<1024x1024xf32>
    %convert_element_type3A_86 = arith.truncf %get3A_1 : vector<256x1024xf32> to vector<256x1024xbf16>
    %convert_element_type3A_87 = arith.truncf %get3A_85 : vector<1024x1024xf32> to vector<1024x1024xbf16>
    %dot_general3A_88 = arith.constant dense<0.000000e+00> : vector<256x1024xf32>
    %dot_general3A_89 = tpu.matmul %convert_element_type3A_86, %convert_element_type3A_87, %dot_general3A_88 {dimension_numbers = #tpu.dot_dimension_numbers<[1], [0], [0], [1], [0, 0, 1, 1], [], []>, transpose_lhs_hint = false} : vector<256x1024xbf16>, vector<1024x1024xbf16>, vector<256x1024xf32> -> vector<256x1024xf32>
    %get3A_90 = arith.constant 0 : index
    %get3A_91 = arith.constant 0 : index
    %get3A_92 = vector.load %arg11[%get3A_90, %get3A_91] : memref<1x1024xf32, #tpu.memory_space<vmem>>, vector<1x1024xf32>
    %add3A_93 = vector.broadcast %get3A_92 : vector<1x1024xf32> to vector<256x1024xf32>
    %add3A_94 = arith.addf %dot_general3A_89, %add3A_93 : vector<256x1024xf32>
    %swap3A_95 = arith.constant 0 : index
    %swap3A_96 = arith.constant 0 : index
    %swap3A_97 = vector.load %arg14[%swap3A_95, %swap3A_96] : memref<256x1024xf32, #tpu.memory_space<vmem>>, vector<256x1024xf32>
    tpu.vector_store %arg14[%swap3A_95, %swap3A_96], %add3A_94 {strides = array<i32>} : memref<256x1024xf32, #tpu.memory_space<vmem>>, vector<256x1024xf32>,
    return
  }
  func.func @transform_0(%arg0: i32) -> (i32, i32) {
    %c0_i32 = arith.constant 0 : i32
    %c0_i32_0 = arith.constant 0 : i32
    return %arg0, %c0_i32 : i32, i32
  }
  func.func @transform_1(%arg0: i32) -> (i32, i32) {
    %c0_i32 = arith.constant 0 : i32
    %c0_i32_0 = arith.constant 0 : i32
    %c0_i32_1 = arith.constant 0 : i32
    return %c0_i32, %c0_i32_0 : i32, i32
  }
  func.func @transform_2(%arg0: i32) -> (i32, i32) {
    %c0_i32 = arith.constant 0 : i32
    %c0_i32_0 = arith.constant 0 : i32
    %c0_i32_1 = arith.constant 0 : i32
    return %c0_i32, %c0_i32_0 : i32, i32
  }
  func.func @transform_3(%arg0: i32) -> (i32, i32) {
    %c0_i32 = arith.constant 0 : i32
    %c0_i32_0 = arith.constant 0 : i32
    %c0_i32_1 = arith.constant 0 : i32
    return %c0_i32, %c0_i32_0 : i32, i32
  }
  func.func @transform_4(%arg0: i32) -> (i32, i32) {
    %c0_i32 = arith.constant 0 : i32
    %c0_i32_0 = arith.constant 0 : i32
    %c0_i32_1 = arith.constant 0 : i32
    return %c0_i32, %c0_i32_0 : i32, i32
  }
  func.func @transform_5(%arg0: i32) -> (i32, i32) {
    %c0_i32 = arith.constant 0 : i32
    %c0_i32_0 = arith.constant 0 : i32
    %c0_i32_1 = arith.constant 0 : i32
    return %c0_i32, %c0_i32_0 : i32, i32
  }
  func.func @transform_6(%arg0: i32) -> (i32, i32) {
    %c0_i32 = arith.constant 0 : i32
    %c0_i32_0 = arith.constant 0 : i32
    %c0_i32_1 = arith.constant 0 : i32
    return %c0_i32, %c0_i32_0 : i32, i32
  }
  func.func @transform_7(%arg0: i32) -> (i32, i32) {
    %c0_i32 = arith.constant 0 : i32
    %c0_i32_0 = arith.constant 0 : i32
    %c0_i32_1 = arith.constant 0 : i32
    return %c0_i32, %c0_i32_0 : i32, i32
  }
  func.func @transform_8(%arg0: i32) -> (i32, i32) {
    %c0_i32 = arith.constant 0 : i32
    %c0_i32_0 = arith.constant 0 : i32
    %c0_i32_1 = arith.constant 0 : i32
    return %c0_i32, %c0_i32_0 : i32, i32
  }
  func.func @transform_9(%arg0: i32) -> (i32, i32) {
    %c0_i32 = arith.constant 0 : i32
    %c0_i32_0 = arith.constant 0 : i32
    %c0_i32_1 = arith.constant 0 : i32
    return %c0_i32, %c0_i32_0 : i32, i32
  }
  func.func @transform_10(%arg0: i32) -> (i32, i32) {
    %c0_i32 = arith.constant 0 : i32
    %c0_i32_0 = arith.constant 0 : i32
    %c0_i32_1 = arith.constant 0 : i32
    return %c0_i32, %c0_i32_0 : i32, i32
  }
  func.func @transform_11(%arg0: i32) -> (i32, i32) {
    %c0_i32 = arith.constant 0 : i32
    %c0_i32_0 = arith.constant 0 : i32
    return %arg0, %c0_i32 : i32, i32
  }
  func.func @transform_12(%arg0: i32) -> (i32, i32) {
    %c0_i32 = arith.constant 0 : i32
    %c0_i32_0 = arith.constant 0 : i32
    return %arg0, %c0_i32 : i32, i32
  }
  func.func @transform_13(%arg0: i32) -> (i32, i32) {
    %c0_i32 = arith.constant 0 : i32
    %c0_i32_0 = arith.constant 0 : i32
    return %arg0, %c0_i32 : i32, i32
  }
}

module attributes {stable_mosaic.version = 14 : i64} {
  func.func @_attn_kernel(%arg0: i32, %arg1: memref<256x1024xf32, #tpu.memory_space<vmem>>, %arg2: memref<2048x1024xf32, #tpu.memory_space<vmem>>, %arg3: memref<2048x1024xf32, #tpu.memory_space<vmem>>, %arg4: memref<256x2048xf32, #tpu.memory_space<vmem>>, %arg5: memref<256x1024xf32, #tpu.memory_space<vmem>>) attributes {dimension_semantics = [#tpu.dimension_semantics<arbitrary>], iteration_bounds = array<i64: 8>, scalar_prefetch = 0 : i64, scratch_operands = 0 : i64, tpu.core_type = #tpu.core_type<tc>, window_params = [{transform_indices = @transform_0, window_bounds = array<i64: 256, 1024>}, {pipeline_mode = #tpu.pipeline_mode<synchronous>, transform_indices = @transform_1, window_bounds = array<i64: 2048, 1024>}, {pipeline_mode = #tpu.pipeline_mode<synchronous>, transform_indices = @transform_2, window_bounds = array<i64: 2048, 1024>}, {transform_indices = @transform_3, window_bounds = array<i64: 256, 2048>}, {transform_indices = @transform_4, window_bounds = array<i64: 256, 1024>}]} {
    %get3A = arith.constant 0 : index
    %get3A_0 = arith.constant 0 : index
    %get3A_1 = vector.load %arg1[%get3A, %get3A_0] : memref<256x1024xf32, #tpu.memory_space<vmem>>, vector<256x1024xf32>
    %convert_element_type3A = arith.truncf %get3A_1 : vector<256x1024xf32> to vector<256x1024xbf16>
    %get3A_2 = arith.constant 0 : index
    %get3A_3 = arith.constant 0 : index
    %get3A_4 = vector.load %arg2[%get3A_2, %get3A_3] : memref<2048x1024xf32, #tpu.memory_space<vmem>>, vector<2048x1024xf32>
    %convert_element_type3A_5 = arith.truncf %get3A_4 : vector<2048x1024xf32> to vector<2048x1024xbf16>
    %dot_general3A = arith.constant dense<0.000000e+00> : vector<256x2048xf32>
    %dot_general3A_6 = tpu.matmul %convert_element_type3A, %convert_element_type3A_5, %dot_general3A {dimension_numbers = #tpu.dot_dimension_numbers<[1], [1], [0], [0], [0, 0, 1, 0], [], []>, transpose_lhs_hint = false} : vector<256x1024xbf16>, vector<2048x1024xbf16>, vector<256x2048xf32> -> vector<256x2048xf32>
    %mul3A = arith.constant 3.125000e-02 : f32
    %mul3A_7 = vector.broadcast %mul3A : f32 to vector<256x2048xf32>
    %mul3A_8 = arith.mulf %dot_general3A_6, %mul3A_7 : vector<256x2048xf32>
    %get3A_9 = arith.constant 0 : index
    %get3A_10 = arith.constant 0 : index
    %get3A_11 = vector.load %arg4[%get3A_9, %get3A_10] : memref<256x2048xf32, #tpu.memory_space<vmem>>, vector<256x2048xf32>
    %add3A = arith.addf %mul3A_8, %get3A_11 : vector<256x2048xf32>
    %reduce_max3A = arith.constant dense<0xFF800000> : vector<256xf32>
    %reduce_max3A_12 = vector.multi_reduction <maximumf>, %add3A, %reduce_max3A [1] : vector<256x2048xf32> to vector<256xf32>
    %broadcast_in_dim3A = vector.shape_cast %reduce_max3A_12 : vector<256xf32> to vector<256x1xf32>
    %reduce_max3A_13 = arith.constant dense<0xFF800000> : vector<256xf32>
    %reduce_max3A_14 = vector.multi_reduction <maximumf>, %add3A, %reduce_max3A_13 [1] : vector<256x2048xf32> to vector<256xf32>
    %broadcast_in_dim3A_15 = vector.shape_cast %reduce_max3A_14 : vector<256xf32> to vector<256x1xf32>
    %ge3A = vector.broadcast %broadcast_in_dim3A_15 : vector<256x1xf32> to vector<256x2048xf32>
    %ge3A_16 = arith.cmpf oge, %add3A, %ge3A : vector<256x2048xf32>
    %sub3A = vector.broadcast %broadcast_in_dim3A : vector<256x1xf32> to vector<256x2048xf32>
    %sub3A_17 = arith.subf %add3A, %sub3A : vector<256x2048xf32>
    %exp3A = math.exp %sub3A_17 : vector<256x2048xf32>
    %jit3A = arith.constant 0.000000e+00 : f32
    %broadcast_in_dim3A_18 = vector.broadcast %jit3A : f32 to vector<256x2048xf32>
    %select_n3A = arith.select %ge3A_16, %exp3A, %broadcast_in_dim3A_18 : vector<256x2048xi1>, vector<256x2048xf32>
    %reduce_sum3A = arith.constant dense<0.000000e+00> : vector<256xf32>
    %reduce_sum3A_19 = vector.multi_reduction <add>, %select_n3A, %reduce_sum3A [1] : vector<256x2048xf32> to vector<256xf32>
    %broadcast_in_dim3A_20 = vector.shape_cast %reduce_sum3A_19 : vector<256xf32> to vector<256x1xf32>
    %div3A = vector.broadcast %broadcast_in_dim3A_20 : vector<256x1xf32> to vector<256x2048xf32>
    %div3A_21 = arith.divf %select_n3A, %div3A : vector<256x2048xf32>
    %get3A_22 = arith.constant 0 : index
    %get3A_23 = arith.constant 0 : index
    %get3A_24 = vector.load %arg3[%get3A_22, %get3A_23] : memref<2048x1024xf32, #tpu.memory_space<vmem>>, vector<2048x1024xf32>
    %convert_element_type3A_25 = arith.truncf %div3A_21 : vector<256x2048xf32> to vector<256x2048xbf16>
    %convert_element_type3A_26 = arith.truncf %get3A_24 : vector<2048x1024xf32> to vector<2048x1024xbf16>
    %dot_general3A_27 = arith.constant dense<0.000000e+00> : vector<256x1024xf32>
    %dot_general3A_28 = tpu.matmul %convert_element_type3A_25, %convert_element_type3A_26, %dot_general3A_27 {dimension_numbers = #tpu.dot_dimension_numbers<[1], [0], [0], [1], [0, 0, 1, 1], [], []>, transpose_lhs_hint = false} : vector<256x2048xbf16>, vector<2048x1024xbf16>, vector<256x1024xf32> -> vector<256x1024xf32>
    %swap3A = arith.constant 0 : index
    %swap3A_29 = arith.constant 0 : index
    %swap3A_30 = vector.load %arg5[%swap3A, %swap3A_29] : memref<256x1024xf32, #tpu.memory_space<vmem>>, vector<256x1024xf32>
    tpu.vector_store %arg5[%swap3A, %swap3A_29], %dot_general3A_28 {strides = array<i32>} : memref<256x1024xf32, #tpu.memory_space<vmem>>, vector<256x1024xf32>,
    return
  }
  func.func @transform_0(%arg0: i32) -> (i32, i32) {
    %c0_i32 = arith.constant 0 : i32
    %c0_i32_0 = arith.constant 0 : i32
    return %arg0, %c0_i32 : i32, i32
  }
  func.func @transform_1(%arg0: i32) -> (i32, i32) {
    %c0_i32 = arith.constant 0 : i32
    %c0_i32_0 = arith.constant 0 : i32
    %c0_i32_1 = arith.constant 0 : i32
    return %c0_i32, %c0_i32_0 : i32, i32
  }
  func.func @transform_2(%arg0: i32) -> (i32, i32) {
    %c0_i32 = arith.constant 0 : i32
    %c0_i32_0 = arith.constant 0 : i32
    %c0_i32_1 = arith.constant 0 : i32
    return %c0_i32, %c0_i32_0 : i32, i32
  }
  func.func @transform_3(%arg0: i32) -> (i32, i32) {
    %c0_i32 = arith.constant 0 : i32
    %c0_i32_0 = arith.constant 0 : i32
    return %arg0, %c0_i32 : i32, i32
  }
  func.func @transform_4(%arg0: i32) -> (i32, i32) {
    %c0_i32 = arith.constant 0 : i32
    %c0_i32_0 = arith.constant 0 : i32
    return %arg0, %c0_i32 : i32, i32
  }
}

module attributes {stable_mosaic.version = 14 : i64} {
  func.func @_gate_kernel(%arg0: i32, %arg1: memref<256x1024xf32, #tpu.memory_space<vmem>>, %arg2: memref<256x1024xf32, #tpu.memory_space<vmem>>, %arg3: memref<1024x1024xf32, #tpu.memory_space<vmem>>, %arg4: memref<1x1024xf32, #tpu.memory_space<vmem>>, %arg5: memref<1024x1024xf32, #tpu.memory_space<vmem>>, %arg6: memref<1024x1024xf32, #tpu.memory_space<vmem>>, %arg7: memref<1x1024xf32, #tpu.memory_space<vmem>>, %arg8: memref<1024x1024xf32, #tpu.memory_space<vmem>>, %arg9: memref<1x1024xf32, #tpu.memory_space<vmem>>, %arg10: memref<256x1024xf32, #tpu.memory_space<vmem>>) attributes {dimension_semantics = [#tpu.dimension_semantics<arbitrary>], iteration_bounds = array<i64: 8>, scalar_prefetch = 0 : i64, scratch_operands = 0 : i64, tpu.core_type = #tpu.core_type<tc>, window_params = [{transform_indices = @transform_0, window_bounds = array<i64: 256, 1024>}, {transform_indices = @transform_1, window_bounds = array<i64: 256, 1024>}, {pipeline_mode = #tpu.pipeline_mode<synchronous>, transform_indices = @transform_2, window_bounds = array<i64: 1024, 1024>}, {pipeline_mode = #tpu.pipeline_mode<synchronous>, transform_indices = @transform_3, window_bounds = array<i64: 1, 1024>}, {pipeline_mode = #tpu.pipeline_mode<synchronous>, transform_indices = @transform_4, window_bounds = array<i64: 1024, 1024>}, {pipeline_mode = #tpu.pipeline_mode<synchronous>, transform_indices = @transform_5, window_bounds = array<i64: 1024, 1024>}, {pipeline_mode = #tpu.pipeline_mode<synchronous>, transform_indices = @transform_6, window_bounds = array<i64: 1, 1024>}, {pipeline_mode = #tpu.pipeline_mode<synchronous>, transform_indices = @transform_7, window_bounds = array<i64: 1024, 1024>}, {pipeline_mode = #tpu.pipeline_mode<synchronous>, transform_indices = @transform_8, window_bounds = array<i64: 1, 1024>}, {transform_indices = @transform_9, window_bounds = array<i64: 256, 1024>}]} {
    %get3A = arith.constant 0 : index
    %get3A_0 = arith.constant 0 : index
    %get3A_1 = vector.load %arg1[%get3A, %get3A_0] : memref<256x1024xf32, #tpu.memory_space<vmem>>, vector<256x1024xf32>
    %get3A_2 = arith.constant 0 : index
    %get3A_3 = arith.constant 0 : index
    %get3A_4 = vector.load %arg2[%get3A_2, %get3A_3] : memref<256x1024xf32, #tpu.memory_space<vmem>>, vector<256x1024xf32>
    %get3A_5 = arith.constant 0 : index
    %get3A_6 = arith.constant 0 : index
    %get3A_7 = vector.load %arg3[%get3A_5, %get3A_6] : memref<1024x1024xf32, #tpu.memory_space<vmem>>, vector<1024x1024xf32>
    %convert_element_type3A = arith.truncf %get3A_4 : vector<256x1024xf32> to vector<256x1024xbf16>
    %convert_element_type3A_8 = arith.truncf %get3A_7 : vector<1024x1024xf32> to vector<1024x1024xbf16>
    %dot_general3A = arith.constant dense<0.000000e+00> : vector<256x1024xf32>
    %dot_general3A_9 = tpu.matmul %convert_element_type3A, %convert_element_type3A_8, %dot_general3A {dimension_numbers = #tpu.dot_dimension_numbers<[1], [0], [0], [1], [0, 0, 1, 1], [], []>, transpose_lhs_hint = false} : vector<256x1024xbf16>, vector<1024x1024xbf16>, vector<256x1024xf32> -> vector<256x1024xf32>
    %get3A_10 = arith.constant 0 : index
    %get3A_11 = arith.constant 0 : index
    %get3A_12 = vector.load %arg4[%get3A_10, %get3A_11] : memref<1x1024xf32, #tpu.memory_space<vmem>>, vector<1x1024xf32>
    %add3A = vector.broadcast %get3A_12 : vector<1x1024xf32> to vector<256x1024xf32>
    %add3A_13 = arith.addf %dot_general3A_9, %add3A : vector<256x1024xf32>
    %get3A_14 = arith.constant 0 : index
    %get3A_15 = arith.constant 0 : index
    %get3A_16 = vector.load %arg5[%get3A_14, %get3A_15] : memref<1024x1024xf32, #tpu.memory_space<vmem>>, vector<1024x1024xf32>
    %convert_element_type3A_17 = arith.truncf %get3A_1 : vector<256x1024xf32> to vector<256x1024xbf16>
    %convert_element_type3A_18 = arith.truncf %get3A_16 : vector<1024x1024xf32> to vector<1024x1024xbf16>
    %dot_general3A_19 = arith.constant dense<0.000000e+00> : vector<256x1024xf32>
    %dot_general3A_20 = tpu.matmul %convert_element_type3A_17, %convert_element_type3A_18, %dot_general3A_19 {dimension_numbers = #tpu.dot_dimension_numbers<[1], [0], [0], [1], [0, 0, 1, 1], [], []>, transpose_lhs_hint = false} : vector<256x1024xbf16>, vector<1024x1024xbf16>, vector<256x1024xf32> -> vector<256x1024xf32>
    %get3A_21 = arith.constant 0 : index
    %get3A_22 = arith.constant 0 : index
    %get3A_23 = vector.load %arg6[%get3A_21, %get3A_22] : memref<1024x1024xf32, #tpu.memory_space<vmem>>, vector<1024x1024xf32>
    %convert_element_type3A_24 = arith.truncf %add3A_13 : vector<256x1024xf32> to vector<256x1024xbf16>
    %convert_element_type3A_25 = arith.truncf %get3A_23 : vector<1024x1024xf32> to vector<1024x1024xbf16>
    %dot_general3A_26 = arith.constant dense<0.000000e+00> : vector<256x1024xf32>
    %dot_general3A_27 = tpu.matmul %convert_element_type3A_24, %convert_element_type3A_25, %dot_general3A_26 {dimension_numbers = #tpu.dot_dimension_numbers<[1], [0], [0], [1], [0, 0, 1, 1], [], []>, transpose_lhs_hint = false} : vector<256x1024xbf16>, vector<1024x1024xbf16>, vector<256x1024xf32> -> vector<256x1024xf32>
    %add3A_28 = arith.addf %dot_general3A_20, %dot_general3A_27 : vector<256x1024xf32>
    %get3A_29 = arith.constant 0 : index
    %get3A_30 = arith.constant 0 : index
    %get3A_31 = vector.load %arg7[%get3A_29, %get3A_30] : memref<1x1024xf32, #tpu.memory_space<vmem>>, vector<1x1024xf32>
    %add3A_32 = vector.broadcast %get3A_31 : vector<1x1024xf32> to vector<256x1024xf32>
    %add3A_33 = arith.addf %add3A_28, %add3A_32 : vector<256x1024xf32>
    %logistic3A = arith.negf %add3A_33 : vector<256x1024xf32>
    %logistic3A_34 = math.exp %logistic3A : vector<256x1024xf32>
    %logistic3A_35 = arith.constant 1.000000e+00 : f32
    %logistic3A_36 = vector.broadcast %logistic3A_35 : f32 to vector<256x1024xf32>
    %logistic3A_37 = arith.addf %logistic3A_36, %logistic3A_34 : vector<256x1024xf32>
    %logistic3A_38 = arith.divf %logistic3A_36, %logistic3A_37 : vector<256x1024xf32>
    %sub3A = arith.constant 1.000000e+00 : f32
    %sub3A_39 = vector.broadcast %sub3A : f32 to vector<256x1024xf32>
    %sub3A_40 = arith.subf %sub3A_39, %logistic3A_38 : vector<256x1024xf32>
    %mul3A = arith.mulf %get3A_1, %sub3A_40 : vector<256x1024xf32>
    %mul3A_41 = arith.mulf %add3A_13, %logistic3A_38 : vector<256x1024xf32>
    %add3A_42 = arith.addf %mul3A, %mul3A_41 : vector<256x1024xf32>
    %get3A_43 = arith.constant 0 : index
    %get3A_44 = arith.constant 0 : index
    %get3A_45 = vector.load %arg8[%get3A_43, %get3A_44] : memref<1024x1024xf32, #tpu.memory_space<vmem>>, vector<1024x1024xf32>
    %convert_element_type3A_46 = arith.truncf %add3A_42 : vector<256x1024xf32> to vector<256x1024xbf16>
    %convert_element_type3A_47 = arith.truncf %get3A_45 : vector<1024x1024xf32> to vector<1024x1024xbf16>
    %dot_general3A_48 = arith.constant dense<0.000000e+00> : vector<256x1024xf32>
    %dot_general3A_49 = tpu.matmul %convert_element_type3A_46, %convert_element_type3A_47, %dot_general3A_48 {dimension_numbers = #tpu.dot_dimension_numbers<[1], [0], [0], [1], [0, 0, 1, 1], [], []>, transpose_lhs_hint = false} : vector<256x1024xbf16>, vector<1024x1024xbf16>, vector<256x1024xf32> -> vector<256x1024xf32>
    %get3A_50 = arith.constant 0 : index
    %get3A_51 = arith.constant 0 : index
    %get3A_52 = vector.load %arg9[%get3A_50, %get3A_51] : memref<1x1024xf32, #tpu.memory_space<vmem>>, vector<1x1024xf32>
    %add3A_53 = vector.broadcast %get3A_52 : vector<1x1024xf32> to vector<256x1024xf32>
    %add3A_54 = arith.addf %dot_general3A_49, %add3A_53 : vector<256x1024xf32>
    %swap3A = arith.constant 0 : index
    %swap3A_55 = arith.constant 0 : index
    %swap3A_56 = vector.load %arg10[%swap3A, %swap3A_55] : memref<256x1024xf32, #tpu.memory_space<vmem>>, vector<256x1024xf32>
    tpu.vector_store %arg10[%swap3A, %swap3A_55], %add3A_54 {strides = array<i32>} : memref<256x1024xf32, #tpu.memory_space<vmem>>, vector<256x1024xf32>,
    return
  }
  func.func @transform_0(%arg0: i32) -> (i32, i32) {
    %c0_i32 = arith.constant 0 : i32
    %c0_i32_0 = arith.constant 0 : i32
    return %arg0, %c0_i32 : i32, i32
  }
  func.func @transform_1(%arg0: i32) -> (i32, i32) {
    %c0_i32 = arith.constant 0 : i32
    %c0_i32_0 = arith.constant 0 : i32
    return %arg0, %c0_i32 : i32, i32
  }
  func.func @transform_2(%arg0: i32) -> (i32, i32) {
    %c0_i32 = arith.constant 0 : i32
    %c0_i32_0 = arith.constant 0 : i32
    %c0_i32_1 = arith.constant 0 : i32
    return %c0_i32, %c0_i32_0 : i32, i32
  }
  func.func @transform_3(%arg0: i32) -> (i32, i32) {
    %c0_i32 = arith.constant 0 : i32
    %c0_i32_0 = arith.constant 0 : i32
    %c0_i32_1 = arith.constant 0 : i32
    return %c0_i32, %c0_i32_0 : i32, i32
  }
  func.func @transform_4(%arg0: i32) -> (i32, i32) {
    %c0_i32 = arith.constant 0 : i32
    %c0_i32_0 = arith.constant 0 : i32
    %c0_i32_1 = arith.constant 0 : i32
    return %c0_i32, %c0_i32_0 : i32, i32
  }
  func.func @transform_5(%arg0: i32) -> (i32, i32) {
    %c0_i32 = arith.constant 0 : i32
    %c0_i32_0 = arith.constant 0 : i32
    %c0_i32_1 = arith.constant 0 : i32
    return %c0_i32, %c0_i32_0 : i32, i32
  }
  func.func @transform_6(%arg0: i32) -> (i32, i32) {
    %c0_i32 = arith.constant 0 : i32
    %c0_i32_0 = arith.constant 0 : i32
    %c0_i32_1 = arith.constant 0 : i32
    return %c0_i32, %c0_i32_0 : i32, i32
  }
  func.func @transform_7(%arg0: i32) -> (i32, i32) {
    %c0_i32 = arith.constant 0 : i32
    %c0_i32_0 = arith.constant 0 : i32
    %c0_i32_1 = arith.constant 0 : i32
    return %c0_i32, %c0_i32_0 : i32, i32
  }
  func.func @transform_8(%arg0: i32) -> (i32, i32) {
    %c0_i32 = arith.constant 0 : i32
    %c0_i32_0 = arith.constant 0 : i32
    %c0_i32_1 = arith.constant 0 : i32
    return %c0_i32, %c0_i32_0 : i32, i32
  }
  func.func @transform_9(%arg0: i32) -> (i32, i32) {
    %c0_i32 = arith.constant 0 : i32
    %c0_i32_0 = arith.constant 0 : i32
    return %arg0, %c0_i32 : i32, i32
  }
}

module attributes {stable_mosaic.version = 14 : i64} {
  func.func @_final_kernel(%arg0: i32, %arg1: memref<256x1024xf32, #tpu.memory_space<vmem>>, %arg2: memref<256x1024xf32, #tpu.memory_space<vmem>>, %arg3: memref<256x1024xf32, #tpu.memory_space<vmem>>, %arg4: memref<1024x1024xf32, #tpu.memory_space<vmem>>, %arg5: memref<1024x1024xf32, #tpu.memory_space<vmem>>, %arg6: memref<1024x1024xf32, #tpu.memory_space<vmem>>, %arg7: memref<1x1024xf32, #tpu.memory_space<vmem>>, %arg8: memref<256x1024xf32, #tpu.memory_space<vmem>>) attributes {dimension_semantics = [#tpu.dimension_semantics<arbitrary>], iteration_bounds = array<i64: 8>, scalar_prefetch = 0 : i64, scratch_operands = 0 : i64, tpu.core_type = #tpu.core_type<tc>, window_params = [{transform_indices = @transform_0, window_bounds = array<i64: 256, 1024>}, {transform_indices = @transform_1, window_bounds = array<i64: 256, 1024>}, {transform_indices = @transform_2, window_bounds = array<i64: 256, 1024>}, {pipeline_mode = #tpu.pipeline_mode<synchronous>, transform_indices = @transform_3, window_bounds = array<i64: 1024, 1024>}, {pipeline_mode = #tpu.pipeline_mode<synchronous>, transform_indices = @transform_4, window_bounds = array<i64: 1024, 1024>}, {pipeline_mode = #tpu.pipeline_mode<synchronous>, transform_indices = @transform_5, window_bounds = array<i64: 1024, 1024>}, {pipeline_mode = #tpu.pipeline_mode<synchronous>, transform_indices = @transform_6, window_bounds = array<i64: 1, 1024>}, {transform_indices = @transform_7, window_bounds = array<i64: 256, 1024>}]} {
    %get3A = arith.constant 0 : index
    %get3A_0 = arith.constant 0 : index
    %get3A_1 = vector.load %arg1[%get3A, %get3A_0] : memref<256x1024xf32, #tpu.memory_space<vmem>>, vector<256x1024xf32>
    %get3A_2 = arith.constant 0 : index
    %get3A_3 = arith.constant 0 : index
    %get3A_4 = vector.load %arg4[%get3A_2, %get3A_3] : memref<1024x1024xf32, #tpu.memory_space<vmem>>, vector<1024x1024xf32>
    %convert_element_type3A = arith.truncf %get3A_1 : vector<256x1024xf32> to vector<256x1024xbf16>
    %convert_element_type3A_5 = arith.truncf %get3A_4 : vector<1024x1024xf32> to vector<1024x1024xbf16>
    %dot_general3A = arith.constant dense<0.000000e+00> : vector<256x1024xf32>
    %dot_general3A_6 = tpu.matmul %convert_element_type3A, %convert_element_type3A_5, %dot_general3A {dimension_numbers = #tpu.dot_dimension_numbers<[1], [0], [0], [1], [0, 0, 1, 1], [], []>, transpose_lhs_hint = false} : vector<256x1024xbf16>, vector<1024x1024xbf16>, vector<256x1024xf32> -> vector<256x1024xf32>
    %get3A_7 = arith.constant 0 : index
    %get3A_8 = arith.constant 0 : index
    %get3A_9 = vector.load %arg2[%get3A_7, %get3A_8] : memref<256x1024xf32, #tpu.memory_space<vmem>>, vector<256x1024xf32>
    %get3A_10 = arith.constant 0 : index
    %get3A_11 = arith.constant 0 : index
    %get3A_12 = vector.load %arg5[%get3A_10, %get3A_11] : memref<1024x1024xf32, #tpu.memory_space<vmem>>, vector<1024x1024xf32>
    %convert_element_type3A_13 = arith.truncf %get3A_9 : vector<256x1024xf32> to vector<256x1024xbf16>
    %convert_element_type3A_14 = arith.truncf %get3A_12 : vector<1024x1024xf32> to vector<1024x1024xbf16>
    %dot_general3A_15 = arith.constant dense<0.000000e+00> : vector<256x1024xf32>
    %dot_general3A_16 = tpu.matmul %convert_element_type3A_13, %convert_element_type3A_14, %dot_general3A_15 {dimension_numbers = #tpu.dot_dimension_numbers<[1], [0], [0], [1], [0, 0, 1, 1], [], []>, transpose_lhs_hint = false} : vector<256x1024xbf16>, vector<1024x1024xbf16>, vector<256x1024xf32> -> vector<256x1024xf32>
    %add3A = arith.addf %dot_general3A_6, %dot_general3A_16 : vector<256x1024xf32>
    %get3A_17 = arith.constant 0 : index
    %get3A_18 = arith.constant 0 : index
    %get3A_19 = vector.load %arg3[%get3A_17, %get3A_18] : memref<256x1024xf32, #tpu.memory_space<vmem>>, vector<256x1024xf32>
    %get3A_20 = arith.constant 0 : index
    %get3A_21 = arith.constant 0 : index
    %get3A_22 = vector.load %arg6[%get3A_20, %get3A_21] : memref<1024x1024xf32, #tpu.memory_space<vmem>>, vector<1024x1024xf32>
    %convert_element_type3A_23 = arith.truncf %get3A_19 : vector<256x1024xf32> to vector<256x1024xbf16>
    %convert_element_type3A_24 = arith.truncf %get3A_22 : vector<1024x1024xf32> to vector<1024x1024xbf16>
    %dot_general3A_25 = arith.constant dense<0.000000e+00> : vector<256x1024xf32>
    %dot_general3A_26 = tpu.matmul %convert_element_type3A_23, %convert_element_type3A_24, %dot_general3A_25 {dimension_numbers = #tpu.dot_dimension_numbers<[1], [0], [0], [1], [0, 0, 1, 1], [], []>, transpose_lhs_hint = false} : vector<256x1024xbf16>, vector<1024x1024xbf16>, vector<256x1024xf32> -> vector<256x1024xf32>
    %add3A_27 = arith.addf %add3A, %dot_general3A_26 : vector<256x1024xf32>
    %get3A_28 = arith.constant 0 : index
    %get3A_29 = arith.constant 0 : index
    %get3A_30 = vector.load %arg7[%get3A_28, %get3A_29] : memref<1x1024xf32, #tpu.memory_space<vmem>>, vector<1x1024xf32>
    %add3A_31 = vector.broadcast %get3A_30 : vector<1x1024xf32> to vector<256x1024xf32>
    %add3A_32 = arith.addf %add3A_27, %add3A_31 : vector<256x1024xf32>
    %swap3A = arith.constant 0 : index
    %swap3A_33 = arith.constant 0 : index
    %swap3A_34 = vector.load %arg8[%swap3A, %swap3A_33] : memref<256x1024xf32, #tpu.memory_space<vmem>>, vector<256x1024xf32>
    tpu.vector_store %arg8[%swap3A, %swap3A_33], %add3A_32 {strides = array<i32>} : memref<256x1024xf32, #tpu.memory_space<vmem>>, vector<256x1024xf32>,
    return
  }
  func.func @transform_0(%arg0: i32) -> (i32, i32) {
    %c0_i32 = arith.constant 0 : i32
    %c0_i32_0 = arith.constant 0 : i32
    return %arg0, %c0_i32 : i32, i32
  }
  func.func @transform_1(%arg0: i32) -> (i32, i32) {
    %c0_i32 = arith.constant 0 : i32
    %c0_i32_0 = arith.constant 0 : i32
    return %arg0, %c0_i32 : i32, i32
  }
  func.func @transform_2(%arg0: i32) -> (i32, i32) {
    %c0_i32 = arith.constant 0 : i32
    %c0_i32_0 = arith.constant 0 : i32
    return %arg0, %c0_i32 : i32, i32
  }
  func.func @transform_3(%arg0: i32) -> (i32, i32) {
    %c0_i32 = arith.constant 0 : i32
    %c0_i32_0 = arith.constant 0 : i32
    %c0_i32_1 = arith.constant 0 : i32
    return %c0_i32, %c0_i32_0 : i32, i32
  }
  func.func @transform_4(%arg0: i32) -> (i32, i32) {
    %c0_i32 = arith.constant 0 : i32
    %c0_i32_0 = arith.constant 0 : i32
    %c0_i32_1 = arith.constant 0 : i32
    return %c0_i32, %c0_i32_0 : i32, i32
  }
  func.func @transform_5(%arg0: i32) -> (i32, i32) {
    %c0_i32 = arith.constant 0 : i32
    %c0_i32_0 = arith.constant 0 : i32
    %c0_i32_1 = arith.constant 0 : i32
    return %c0_i32, %c0_i32_0 : i32, i32
  }
  func.func @transform_6(%arg0: i32) -> (i32, i32) {
    %c0_i32 = arith.constant 0 : i32
    %c0_i32_0 = arith.constant 0 : i32
    %c0_i32_1 = arith.constant 0 : i32
    return %c0_i32, %c0_i32_0 : i32, i32
  }
  func.func @transform_7(%arg0: i32) -> (i32, i32) {
    %c0_i32 = arith.constant 0 : i32
    %c0_i32_0 = arith.constant 0 : i32
    return %arg0, %c0_i32 : i32, i32
  }
}

</mosaic_0001>

<sc_bundles>
// kernel: sparse-core-data-format-call.cloned.1.call-start
scs
called_computation_lowered:
.L_overlay_start_0:
0x0: {  	s1 =	sld [smem:$0x3FD9]  }
0x1: {  	s2 =	sld [smem:$0x3FFE];
	_ =	sdelay $0x1  }
0x2: {  	s3 =	srdreg.scid  }
0x3: {  	s0 =	sand.u32 $0x1, s3  }
0x4: {  	s17 =	sshll.u32 s0, $0xA;
	s1 =	sadd.s32 s2, s1  }
0x5: {  	s1 =	sadd.s32 s1, s17  }
0x6: {  	[smem:$0x3F8A] =	sst s1  }
0x7: {  	_ = 	snop  }
0x8: {  	(tm) =	ssettm $0x1  }
0x9: {  	s18 =	sld [smem:$0x3FFB];
	_ =	sdelay $0x3  }
0xa: {  	_ =	strace s18  }
0xb: {  	s1 =	sld [smem:$0x3FFC];
	_ =	sdelay $0x3  }
0xc: {  	_ =	strace s1  }
0xd: {  	s1 =	sld [smem:$0x3FFD];
	_ =	sdelay $0x3  }
0xe: {  	_ =	strace s1  }
0xf: {  	_ =	strace $0x8FFFFFFF  }
0x10: {  	s19 =	sld [smem:$0x3FDB];
	_ =	sdelay $0x1  }
0x11: {  	s20 =	simm.s32 $_scs_section_size  }
0x12: {  	s4 =	simm.s32 $_size__tile_overlayer_lowered;
	s5 =	simm.s32 $_tile_overlayer_lowered  }
0x13: {  	s23 =	simm.s32 $0x1BFF;
	s22 =	sshll.u32 s5, $0x1;
	s1 =	sadd.s32 s20, s19  }
0x14: {  	s6 =	simm.s32 $0x0;
	s21 =	sshll.u32 s4, $0x1;
	s4 =	sadd.s32 s22, s1  }
0x15: {  	[timem:s6], [sflag:s23] =	dma.local [hbm:s4], s21  }
0x16: {  	_ =	swait.ge [sflag:s23], s21  }
0x17: {  	s2 =	ssub.s32 $0x0, s21;
	[sflag:s23] =	ssyncset.done $0x0  }
0x18: {  	[sflag:s23] =	ssyncadd.s32 s2;
	_ =	sdelay $0x1  }
0x19: {  	s24 =	simm.s32 $0x1B8B  }
0x1a: {  	_ =	swait.ge [sflag:s24], $0x1  }
0x1b: {  	[sflag:s24] =	ssyncset.done $0x0  }
0x1c: {  	s26 =	simm.s32 $0x1B8E;
	s25 =	sld [smem:$0x3FFE];
	[sflag:s24] =	ssyncadd.s32 $0xFFFFFFFF  }
0x1d: {  	s27 =	simm.s32 $execute0_lowered;
	[smem:$0x3FD2] =	sst s26  }
0x1e: {  	s4 =	sshll.u32 s27, $0x1;
	_ =	strace $0x80000046;
	[dreg:$0x1] =	wrdreg $0xFFFFFFFF  }
0x1f: {  	s28 =	simm.s32 $_size_execute0_lowered;
	s1 =	sadd.s32 s1, s4;
	[dreg:$0x0] =	wrdreg $0x0  }
0x20: {  	s4 =	sshll.u32 s28, $0x1;
	[dreg:$0x2] =	wrdreg s1  }
0x21: {  	[dreg:$0x3] =	wrdreg s4  }
0x22: {  	[dreg:$0x4] =	wrdreg $0xC0  }
0x23: {  	_ =	task [dreg:s6], $0x5FFFF  }
0x24: {  	[dreg:$0x1] =	wrdreg $0xFFFFFFFF  }
0x25: {  	[dreg:$0x0] =	wrdreg $0x60  }
0x26: {  	[dreg:$0x2] =	wrdreg s25  }
0x27: {  	[dreg:$0x3] =	wrdreg $0x9  }
0x28: {  	_ =	task.clear_ibuf [dreg:s6], $0x4FFFF;
	_ =	strace $0x90000046  }
0x29: {  	s29 =	simm.s32 $0x9;
	_ =	strace $0x80000048  }
0x2a: {  	_ =	swait.ge [sflag:s29], $0x1  }
0x2b: {  	[sflag:s29] =	ssyncadd.s32 $0xFFFFFFFF  }
0x2c: {  	_ =	strace $0x90000048  }
0x2d: {  	_ =	sfence  }
0x2e: {  	s30 =	sld [smem:$0x0];
	_ =	sdelay $0x2  }
0x2f: {  	s31 =	sshll.u32 s3, $0xD;
	s3 =	sshrl.u32 s3, $0x2  }
0x30: {  	s2 =	sand.u32 $0x4000, s31;
	s1 =	sadd.s32 s3, s30  }
0x31: {  	s0 =	sor.u32 s2, s0;
	s1 =	sshll.u32 s1, $0x11  }
0x32: {  	s0 =	sor.u32 s1, s0  }
0x33: {  	s0 =	sadd.s32 $0x8F2B, s0  }
0x34: {  	[sflag:s0] =	ssyncadd.remote.s32 $0x1  }
0x35: {  	_ =	sfence.sel $0xFFFF  }
0x36: {  	[dreg:$0x0] =	wrdreg $0xFFFFFFFF;
	(pc) =	sbr.abs _section_cstart, $3  }
0x37: {  	[dreg:$0x1] =	wrdreg $0xFFFFFFFF  }
0x38: {  	_ =	task.clear_ibuf [dreg:s6], $0x2FFFF;
	_ =	strace $0x9FFFFFFF  }
0x39: {  	(tm) =	ssettm $0x7FFFFFFF  }
tec
execute0_lowered:
.L_overlay_start_1:
0x0: {  	(tag) =	ssettag $0x1  }
0x1: {  	s1 =	rddreg [dreg:$0x0]  }
0x2: {  	s0 =	rddreg [dreg:$0x1]  }
0x3: {  	_ =	strace $0x80000047;
	s4 =	srdreg.scid;
	s6 =	simm.s32 $0x2  }
0x4: {  	s11 =	simm.s32 $0x0;
	p0 =	por $0x0, $0x0;
	s7 =	simm.s32 $0x1000  }
.Ltmp0:
0x5: {  	s12 =	simm.s32 $0x0;
	s9 =	simm.s32 $0x0;
	(pc) =	sbr.rel .LBB1_1-.Ltmp0, $4  }
0x6: {  	s2 =	sadd.s32 $0xBA00, s1;
	s3 =	sadd.s32 $0x10BA00, s1;
	s5 =	sshll.u32 s4, $0x4  }
0x7: {  	s1 =	stileid.u32;
	s4 =	simm.s32 $0x1;
	s5 =	sand.u32 $0x10, s5  }
0x8: {  	s8 =	simm.s32 $0x0;
	[sflag:s4] =	ssyncpa.u1 $0x0;
	s5 =	sor.u32 s1, s5  }
0x9: {  	[sflag:s6] =	ssyncpa.u1 $0x0;
	s6 =	simm.s32 $0x800;
	s10 =	smov.u32 s5  }
.LBB1_7:
0xa: {  	s13 =	sadd.s32 $0x10, s9  }
0xb: {  	s11 =	sadd.s32 $0x20, s10;
	s15 =	smov.u32 s10;
	p2 =	sgt.s32 s13, $0x1F  }
0xc: {  	p1 =	slt.u32 s8, $0x2;
	s15 =	smov.u32 @p2 s11  }
0xd: {  	s8 =	sadd.s32 $0x1, s8;
	s13 =	simm.s32 @p2 $0x0;
	p2 =	sgt.s32 s15, $0xFF  }
0xe: {  	s15 =	smov.u32 @p2 s5;
	p2 =	sne.s32 s8, $0x12  }
.Ltmp1:
0xf: {  	_ = 	snop;
	(pc) =	sbr.rel @!p2 .LBB1_8-.Ltmp1, $4  }
0x10: {  	s14 =	simm.s32 @!p1 $0x2  }
0x11: {  	s12 =	smov.u32 s10;
	_ =	swait.ge @!p1 [sflag:s14], $0x4000  }
0x12: {  	p0 =	por !p0, !p0;
	s11 =	smov.u32 s9;
	[sflag:s14] =	ssyncset.done @!p1 $0x0  }
0x13: {  	s9 =	smov.u32 s13;
	[sflag:s14] =	ssyncadd.s32 @!p1 $0xFFFFC000;
	s10 =	smov.u32 s15  }
.LBB1_1:
0x14: {  	p1 =	sgt.u32 s8, $0xF  }
0x15: {  	s13 =	sxor.u32 @!p1 $0xFFFFFFFF, s8;
	s14 =	sshll.u32 @!p1 s10, $0xC  }
0x16: {  	s15 =	sshll.u32 @!p1 s9, $0x7;
	s13 =	sshll.u32 @!p1 s13, $0xE;
	s14 =	sadd.s32 @!p1 s2, s14  }
0x17: {  	s13 =	sand.u32 @!p1 $0x4000, s13;
	s14 =	sadd.s32 @!p1 s15, s14;
	s15 =	simm.s32 @!p1 $0x0  }
0x18: {  	[tilespmem:s13], [sflag:$0x1] =	stream.linear.gather @!p1 [hbm4b:s14+s15], $0x4000, $0x38;
	[tilespmem:$0x10000] =	vst v63  }
0x19: {  	p1 =	seq.s32 s8, $0x0  }
0x1a: {  	p2 =	seq.s32 @!p1 s8, $0x11  }
0x1b: {  	p1 =	por p1, p2  }
.Ltmp2:
0x1c: {  	_ = 	snop;
	(pc) =	sbr.rel @p1 .LBB1_7-.Ltmp2, $1  }
0x1d: {  	_ =	sdelay $0x3  }
0x1e: {  	s13 =	simm.s32 $0x1;
	_ =	swait.ge [sflag:s4], $0x4000;
	s16 =	sshll.u32 s8, $0xE  }
0x1f: {  	s13 =	simm.s32 @!p0 $0x0;
	[sflag:s4] =	ssyncset.done $0x0;
	s31 =	sand.u32 $0x4000, s16  }
0x20: {  	s16 =	simm.s32 $0x0;
	s14 =	sshll.u32 s13, $0xE;
	[sflag:s4] =	ssyncadd.s32 $0xFFFFC000  }
0x21: {  	s13 =	sor.u32 $0x8040, s14;
	s15 =	sor.u32 $0x40, s14;
	s14 =	sor.u32 $0x8000, s31  }
.LBB1_3:
0x22: {  	v0 =	vmov s15;
	_ =	sdelay $0x3  }
0x23: {  	s18 =	simm.s32 $0x0  }
0x24: {  	v6 =	vld.idx.msk [tilespmem:v0+s18+$0x30 ss:$0x1], $0xffff  }
0x25: {  	v7 =	vld.idx.msk [tilespmem:v0+s18+$0xFFFFFFC0 ss:$0x1], $0xffff  }
0x26: {  	v5 =	vld.idx.msk [tilespmem:v0+s18+$0xFFFFFFD0 ss:$0x1], $0xffff  }
0x27: {  	v4 =	vld.idx.msk [tilespmem:v0+s18+$0xFFFFFFE0 ss:$0x1], $0xffff  }
0x28: {  	v3 =	vld.idx.msk [tilespmem:v0+s18+$0xFFFFFFF0 ss:$0x1], $0xffff  }
0x29: {  	v1 =	vld.idx.msk [tilespmem:v0+s18+$0x0 ss:$0x1], $0xffff  }
0x2a: {  	v2 =	vld.idx.msk [tilespmem:v0+s18+$0x10 ss:$0x1], $0xffff;
	[tilespmem:s13+$0x30] =	vst v6  }
0x2b: {  	s17 =	simm.s32 $0x80;
	s19 =	simm.s32 $0x400;
	[tilespmem:s13+$0xFFFFFFC0] =	vst v7;
	v6 =	vld.idx.msk [tilespmem:v0+s18+$0x20 ss:$0x1], $0xffff;
	s18 =	smov.u32 s13  }
.LBB1_4:
0x2c: {  	p1 =	sne.s32 s19, $0xE00;
	v7 =	vld.idx.msk [tilespmem:v0+s17+$0x30 ss:$0x1], $0xffff;
	[tilespmem:s18+$0xFFFFFFD0] =	vst v5  }
0x2d: {  	v8 =	vld.idx.msk [tilespmem:v0+s17+$0xFFFFFFC0 ss:$0x1], $0xffff;
	[tilespmem:s18+$0xFFFFFFE0] =	vst v4  }
0x2e: {  	v5 =	vld.idx.msk [tilespmem:v0+s17+$0xFFFFFFD0 ss:$0x1], $0xffff;
	[tilespmem:s18+$0xFFFFFFF0] =	vst v3  }
.Ltmp3:
0x2f: {  	v4 =	vld.idx.msk [tilespmem:v0+s17+$0xFFFFFFE0 ss:$0x1], $0xffff;
	[tilespmem:s18+$0x0] =	vst v1;
	(pc) =	sbr.rel @p1 .LBB1_4-.Ltmp3, $4  }
0x30: {  	v3 =	vld.idx.msk [tilespmem:v0+s17+$0xFFFFFFF0 ss:$0x1], $0xffff;
	[tilespmem:s18+$0x10] =	vst v2  }
0x31: {  	v1 =	vld.idx.msk [tilespmem:v0+s17+$0x0 ss:$0x1], $0xffff;
	[tilespmem:s18+$0x20] =	vst v6;
	s18 =	sadd.s32 $0x800, s18  }
0x32: {  	v2 =	vld.idx.msk [tilespmem:v0+s17+$0x10 ss:$0x1], $0xffff;
	[tilespmem:s18+$0x30] =	vst v7  }
0x33: {  	[tilespmem:s18+$0xFFFFFFC0] =	vst v8;
	v6 =	vld.idx.msk [tilespmem:v0+s17+$0x20 ss:$0x1], $0xffff;
	s17 =	sshra.s32 s19, $0x2;
	s19 =	sadd.s32 $0x200, s19  }
0x34: {  	_ =	sdelay $0x2  }
0x35: {  	[tilespmem:s18+$0xFFFFFFD0] =	vst v5  }
0x36: {  	v56 =	vld.idx.msk [tilespmem:v0+s17+$0x30 ss:$0x1], $0xffff;
	[tilespmem:s18+$0xFFFFFFE0] =	vst v4  }
0x37: {  	v57 =	vld.idx.msk [tilespmem:v0+s17+$0xFFFFFFC0 ss:$0x1], $0xffff;
	[tilespmem:s18+$0xFFFFFFF0] =	vst v3  }
0x38: {  	v58 =	vld.idx.msk [tilespmem:v0+s17+$0xFFFFFFD0 ss:$0x1], $0xffff;
	[tilespmem:s18+$0x0] =	vst v1  }
0x39: {  	v59 =	vld.idx.msk [tilespmem:v0+s17+$0xFFFFFFE0 ss:$0x1], $0xffff;
	[tilespmem:s18+$0x10] =	vst v2  }
0x3a: {  	v60 =	vld.idx.msk [tilespmem:v0+s17+$0xFFFFFFF0 ss:$0x1], $0xffff;
	s31 =	sadd.s32 $0x800, s18;
	[tilespmem:s18+$0x20] =	vst v6  }
0x3b: {  	v61 =	vld.idx.msk [tilespmem:v0+s17+$0x0 ss:$0x1], $0xffff;
	[tilespmem:s31+$0x30] =	vst v56  }
0x3c: {  	v62 =	vld.idx.msk [tilespmem:v0+s17+$0x10 ss:$0x1], $0xffff;
	s16 =	sadd.s32 $0x1, s16;
	[tilespmem:s31+$0xFFFFFFC0] =	vst v57  }
0x3d: {  	v63 =	vld.idx.msk [tilespmem:v0+s17+$0x20 ss:$0x1], $0xffff;
	p1 =	sne.s32 s16, $0x10;
	[tilespmem:s31+$0xFFFFFFD0] =	vst v58  }
.Ltmp4:
0x3e: {  	[tilespmem:s31+$0xFFFFFFE0] =	vst v59;
	(pc) =	sbr.rel @p1 .LBB1_3-.Ltmp4, $4  }
0x3f: {  	[tilespmem:s31+$0xFFFFFFF0] =	vst v60  }
0x40: {  	[tilespmem:s31+$0x0] =	vst v61  }
0x41: {  	[tilespmem:s31+$0x10] =	vst v62  }
0x42: {  	s13 =	sadd.s32 $0x80, s13;
	s15 =	sadd.s32 $0x400, s15;
	[tilespmem:s31+$0x20] =	vst v63  }
.Ltmp5:
0x43: {  	(pc) =	sbr.rel .LBB1_7-.Ltmp5, $4  }
0x44: {  	s12 =	sshll.u32 s12, $0xC;
	s11 =	sshll.u32 s11, $0x4  }
0x45: {  	s11 =	sand.u32 $0x1F0, s11;
	s12 =	sadd.s32 s3, s12  }
0x46: {  	s11 =	sadd.s32 s11, s12  }
0x47: {  	[hbm4b:s11+s6] =	stream.strided.scatter [tilespmem:s14], [sflag:$0x2], $0x4000, s7, s6, $0x38;
	[tilespmem:$0x10000] =	vst v63  }
.LBB1_8:
0x48: {  	_ =	sfence.sel $0x180000  }
0x49: {  	s2 =	simm.s32 $0x1;
	[bflag:$0x0] =	sbarrier.arrive $0xFFFF  }
0x4a: {  	s31 =	simm.s32 $0x2;
	[sflag:s2] =	ssyncpa.u1 $0x1  }
0x4b: {  	[sflag:s31] =	ssyncpa.u1 $0x1  }
0x4c: {  	p0 =	sne.s32 s1, $0x0;
	_ =	strace $0x90000047  }
0x4d: {  	s0 =	sadd.s32 @!p0 $0x100000, s0;
	[bflag:$0x2] =	sbarrier.arrive $0xFFFF  }
0x4e: {  	[sflag:s0] =	ssyncadd.tile.s32 @!p0 $0x1;
	_ =	shalt  }
.Lfunc_end1:
_tile_overlayer_lowered:
.L_overlay_start_2:
0x4f: {  	(tag) =	ssettag $0x2  }
0x50: {  	s0 =	rddreg [dreg:$0x0];
	s2 =	stileid.u32  }
0x51: {  	s1 =	rddreg [dreg:$0x1];
	p0 =	sne.s32 s2, $0x0  }
0x52: {  	s3 =	rddreg [dreg:$0x2];
	[bflag:$0x3] =	sbarrier.arrive $0xFFFF;
	s2 =	simm.s32 @!p0 $0x1C01  }
0x53: {  	[timem:s3], [sflag:s2] =	dma.local @!p0 [hbm:s0], s1  }
0x54: {  	s0 =	simm.s32 @!p0 $0x1  }
0x55: {  	_ =	swait.ge @!p0 [sflag:s0], s1  }
0x56: {  	s1 =	ssub.s32 @!p0 $0x0, s1;
	[sflag:s0] =	ssyncset.done @!p0 $0x0  }
0x57: {  	[sflag:s0] =	ssyncadd.s32 @!p0 s1  }
0x58: {  	[bflag:$0x3] =	sbarrier.arrive $0xFFFF  }
0x59: {  	_ =	shalt  }

</sc_bundles>
